<compile_context>
chip_gen: v7x
topology: tpu7x:2x2x1
jax: 0.10.2.dev20260603
libtpu: 0.0.44.dev20260713+nightly
codegen_flags: <defaults>
</compile_context>

<pallas_src>
import functools

import jax
import jax.numpy as jnp
from jax import lax
from jax.experimental import pallas as pl
from jax.experimental.pallas import tpu as pltpu
from jax.experimental.pallas import tpu_sc as plsc

_B, _T, _V, _E, _U = 1024, 200, 100000, 64, 128
_K = 256
_NC, _NS = 2, 16
_NW = _NC * _NS
_ROWS = _B * _T
_RPW = _ROWS // _NW
_CHUNK = 1600
_NCHUNK = _RPW // _CHUNK
_G = 10
_NT = _T // _G


@functools.cache
def _make_sc_gather():
    @functools.partial(
        pl.kernel,
        out_type=jax.ShapeDtypeStruct((_ROWS, _E), jnp.bfloat16),
        mesh=plsc.VectorSubcoreMesh(
            core_axis_name="c", subcore_axis_name="s",
            num_cores=_NC, num_subcores=_NS),
        scratch_types=[
            pltpu.VMEM((_RPW,), jnp.int32),
            pltpu.VMEM((_CHUNK, _E), jnp.bfloat16),
            pltpu.VMEM((_CHUNK, _E), jnp.bfloat16),
            pltpu.SemaphoreType.DMA,
            pltpu.SemaphoreType.DMA,
            pltpu.SemaphoreType.DMA,
            pltpu.SemaphoreType.DMA,
        ],
        compiler_params=pltpu.CompilerParams(use_tc_tiling_on_sc=False),
    )
    def _sc_gather(idx_hbm, table_hbm, out_hbm, idx_v, rows_a, rows_b,
                   gsem_a, gsem_b, ssem_a, ssem_b):
        wid = lax.axis_index("s") * _NC + lax.axis_index("c")
        base = wid * _RPW
        pltpu.sync_copy(idx_hbm.at[pl.ds(base, _RPW)], idx_v)

        rows = (rows_a, rows_b)
        gsem = (gsem_a, gsem_b)
        ssem = (ssem_a, ssem_b)

        pltpu.async_copy(
            table_hbm.at[idx_v.at[pl.ds(0, _CHUNK)]], rows[0], gsem[0])
        for i in range(_NCHUNK):
            p = i % 2
            q = (i + 1) % 2
            pltpu.make_async_copy(
                table_hbm.at[idx_v.at[pl.ds(i * _CHUNK, _CHUNK)]],
                rows[p], gsem[p]).wait()
            if i + 1 < _NCHUNK:
                if i >= 1:
                    pltpu.make_async_copy(
                        rows[q], out_hbm.at[pl.ds(base, _CHUNK)],
                        ssem[q]).wait()
                pltpu.async_copy(
                    table_hbm.at[idx_v.at[pl.ds((i + 1) * _CHUNK, _CHUNK)]],
                    rows[q], gsem[q])
            pltpu.async_copy(
                rows[p], out_hbm.at[pl.ds(base + i * _CHUNK, _CHUNK)],
                ssem[p])
        pltpu.make_async_copy(
            rows[(_NCHUNK - 1) % 2],
            out_hbm.at[pl.ds(base, _CHUNK)],
            ssem[(_NCHUNK - 1) % 2]).wait()
        pltpu.make_async_copy(
            rows[_NCHUNK % 2],
            out_hbm.at[pl.ds(base, _CHUNK)],
            ssem[_NCHUNK % 2]).wait()

    return _sc_gather


def _sigmoid_pre(z):
    return 0.5 * jnp.tanh(z) + 0.5


def _dir_step(x_t, Wc_ref, xh, c_ref):
    xh[:, _U:_U + _E] = x_t
    z = jnp.dot(xh[...], Wc_ref[...],
                preferred_element_type=jnp.float32).astype(jnp.bfloat16)
    i = _sigmoid_pre(z[:, :_U])
    f = _sigmoid_pre(z[:, _U:2 * _U])
    g = jnp.tanh(z[:, 2 * _U:3 * _U])
    o = _sigmoid_pre(z[:, 3 * _U:])
    c = f * c_ref[...] + i * g
    h = o * jnp.tanh(c)
    c_ref[...] = c
    xh[:, :_U] = h
    return h


def _tc_body(xf_ref, xb_ref, Wcf_ref, Wcb_ref, W2a_ref, W2b_ref, b2_ref,
             W3_ref, b3_ref, Wo_ref, bo_ref, out_ref, xhf, xhb, cf, cb):
    t = pl.program_id(0)

    @pl.when(t == 0)
    def _init():
        lane = lax.broadcasted_iota(jnp.int32, (_B, _K), 1)
        const = jnp.where(lane == _U + _E, 1.0, 0.0).astype(jnp.bfloat16)
        xhf[...] = const
        xhb[...] = const
        cf[...] = jnp.zeros_like(cf)
        cb[...] = jnp.zeros_like(cb)

    for j in range(_G):
        h_f = _dir_step(xf_ref[j * _B:(j + 1) * _B], Wcf_ref, xhf, cf)
    for j in range(_G):
        h_b = _dir_step(xb_ref[(_G - 1 - j) * _B:(_G - j) * _B], Wcb_ref,
                        xhb, cb)

    @pl.when(t == _NT - 1)
    def _head():
        r1 = jnp.dot(h_f.astype(jnp.float32), W2a_ref[...],
                     preferred_element_type=jnp.float32)
        r1 = r1 + jnp.dot(h_b.astype(jnp.float32), W2b_ref[...],
                          preferred_element_type=jnp.float32)
        r1 = jnp.maximum(r1 + b2_ref[...], 0.0)
        r2 = jnp.maximum(
            jnp.dot(r1, W3_ref[...], preferred_element_type=jnp.float32)
            + b3_ref[...], 0.0)
        lg = jnp.dot(r2, Wo_ref[...], preferred_element_type=jnp.float32)
        lg = lg + bo_ref[...]
        m = jnp.max(lg, axis=-1, keepdims=True)
        e = jnp.exp(lg - m)
        out_ref[...] = e / jnp.sum(e, axis=-1, keepdims=True)


def _stack_w(Wk, Wr, b):
    pad = jnp.zeros((_K - _U - _E - 1, 4 * _U), jnp.float32)
    w = jnp.concatenate([Wr, Wk, b[None, :], pad], axis=0)
    scale = jnp.where(
        (jnp.arange(4 * _U) >= 2 * _U) & (jnp.arange(4 * _U) < 3 * _U),
        1.0, 0.5)
    return (w * scale[None, :]).astype(jnp.bfloat16)


def _bilstm_head(x, Wk_f, Wr_f, b_f, Wk_b, Wr_b, b_b, W2, b2, W3, b3, Wo, bo,
                 interpret=False):
    full = lambda shape: pl.BlockSpec(shape, lambda t: (0,) * len(shape))
    return pl.pallas_call(
        _tc_body,
        grid=(_NT,),
        in_specs=[
            pl.BlockSpec((_G * _B, _E), lambda t: (t, 0)),
            pl.BlockSpec((_G * _B, _E), lambda t: (_NT - 1 - t, 0)),
            full((_K, 4 * _U)), full((_K, 4 * _U)),
            full((_U, 64)), full((_U, 64)), full((1, 64)),
            full((64, 32)), full((1, 32)),
            full((32, 6)), full((1, 6)),
        ],
        out_specs=pl.BlockSpec((_B, 6), lambda t: (0, 0)),
        out_shape=jax.ShapeDtypeStruct((_B, 6), jnp.float32),
        scratch_shapes=[
            pltpu.VMEM((_B, _K), jnp.bfloat16),
            pltpu.VMEM((_B, _K), jnp.bfloat16),
            pltpu.VMEM((_B, _U), jnp.bfloat16),
            pltpu.VMEM((_B, _U), jnp.bfloat16),
        ],
        compiler_params=pltpu.CompilerParams(
            dimension_semantics=("arbitrary",)),
        interpret=interpret,
    )(x, x, _stack_w(Wk_f, Wr_f, b_f), _stack_w(Wk_b, Wr_b, b_b),
      W2[:_U], W2[_U:], b2.reshape(1, -1), W3, b3.reshape(1, -1), Wo,
      bo.reshape(1, -1))


def kernel(tokens, emb, Wk_f, Wr_f, b_f, Wk_b, Wr_b, b_b, W2, b2, W3, b3,
           Wo, bo):
    idx = tokens.astype(jnp.int32).T.reshape(-1)
    x = _make_sc_gather()(idx, emb.astype(jnp.bfloat16))
    return _bilstm_head(x, Wk_f, Wr_f, b_f, Wk_b, Wr_b, b_b, W2, b2, W3, b3,
                        Wo, bo)

# --- scband reference (transcript-rebuilt; emitter-appended) ---
"""Pipeline reference for scband-emojiii-model-bi-2078764171635 (READ-ONLY COPY).

The authoritative reference and input builder live on the scoring server;
editing this copy changes nothing except your own understanding.
"""

import jax, jax.numpy as jnp
import numpy as np

B, T, V, E, U = 1024, 200, 100000, 64, 128

def _k(i):
    return jax.random.fold_in(jax.random.key(0), i)

def setup_inputs() -> dict:
    tokens = jax.random.randint(_k(1), (B, T), 0, V, dtype=jnp.int64)
    emb = jax.random.normal(_k(2), (V, E), dtype=jnp.float32) * 0.05
    Wk_f = jax.random.normal(_k(3), (E, 4 * U), dtype=jnp.float32) * 0.05
    Wr_f = jax.random.normal(_k(4), (U, 4 * U), dtype=jnp.float32) * 0.05
    b_f = jnp.zeros((4 * U,), dtype=jnp.float32)
    Wk_b = jax.random.normal(_k(5), (E, 4 * U), dtype=jnp.float32) * 0.05
    Wr_b = jax.random.normal(_k(6), (U, 4 * U), dtype=jnp.float32) * 0.05
    b_b = jnp.zeros((4 * U,), dtype=jnp.float32)
    W2 = jax.random.normal(_k(7), (2 * U, 64), dtype=jnp.float32) * 0.05
    b2 = jnp.zeros((64,), dtype=jnp.float32)
    W3 = jax.random.normal(_k(8), (64, 32), dtype=jnp.float32) * 0.05
    b3 = jnp.zeros((32,), dtype=jnp.float32)
    Wo = jax.random.normal(_k(9), (32, 6), dtype=jnp.float32) * 0.05
    bo = jnp.zeros((6,), dtype=jnp.float32)
    return {"tokens": tokens, "emb": emb, "Wk_f": Wk_f, "Wr_f": Wr_f, "b_f": b_f,
            "Wk_b": Wk_b, "Wr_b": Wr_b, "b_b": b_b, "W2": W2, "b2": b2,
            "W3": W3, "b3": b3, "Wo": Wo, "bo": bo}

def _lstm_final(x_tbe, Wk, Wr, b):
    # x_tbe: [T, B, E]; Keras gate order i, f, g(c), o
    def step(carry, x_t):
        h, c = carry
        z = x_t @ Wk + h @ Wr + b
        i, f, g, o = jnp.split(z, 4, axis=-1)
        i = jax.nn.sigmoid(i); f = jax.nn.sigmoid(f)
        g = jnp.tanh(g); o = jax.nn.sigmoid(o)
        c = f * c + i * g
        h = o * jnp.tanh(c)
        return (h, c), None
    h0 = jnp.zeros((x_tbe.shape[1], Wr.shape[0]), dtype=x_tbe.dtype)
    (h, c), _ = jax.lax.scan(step, (h0, h0), x_tbe)
    return h

def reference(tokens, emb, Wk_f, Wr_f, b_f, Wk_b, Wr_b, b_b, W2, b2, W3, b3, Wo, bo):
    # vectorize layer treated as identity (tokens already integer ids)
    x = jnp.take(emb, tokens, axis=0)            # [B, T, E] embedding gather
    x_tbe = jnp.transpose(x, (1, 0, 2))          # [T, B, E]
    h_f = _lstm_final(x_tbe, Wk_f, Wr_f, b_f)    # forward LSTM final state
    h_b = _lstm_final(x_tbe[::-1], Wk_b, Wr_b, b_b)  # backward LSTM final state
    h = jnp.concatenate([h_f, h_b], axis=-1)     # [B, 2U] (Bidirectional concat)
    # dropout layers are identity at inference; flatten is no-op on [B, 2U]
    r1 = jax.nn.relu(h @ W2 + b2)
    r2 = jax.nn.relu(r1 @ W3 + b3)
    out = jax.nn.softmax(r2 @ Wo + bo, axis=-1)
    return out

if __name__ == "__main__":
    import jax
    _d = setup_inputs()
    print(jax.jit(kernel)(*tuple(_d.values())))

</pallas_src>

<mosaic_0001>
#map = affine_map<(d0, d1) -> (0)>
#map1 = affine_map<(d0, d1) -> (0, 0)>
module attributes {stable_mosaic.version = 14 : i64} {
  func.func @_sc_gather(%arg0: i32, %arg1: i32, %arg2: memref<204800xi32, #tpu.memory_space<hbm>>, %arg3: memref<100000x64xbf16, #tpu.memory_space<hbm>>, %arg4: memref<204800x64xbf16, #tpu.memory_space<hbm>>, %arg5: memref<6400xi32, #tpu.memory_space<vmem>>, %arg6: memref<1600x64xbf16, #tpu.memory_space<vmem>>, %arg7: memref<1600x64xbf16, #tpu.memory_space<vmem>>, %arg8: memref<!tpu.dma_semaphore, #tpu.memory_space<semaphore_mem>>, %arg9: memref<!tpu.dma_semaphore, #tpu.memory_space<semaphore_mem>>, %arg10: memref<!tpu.dma_semaphore, #tpu.memory_space<semaphore_mem>>, %arg11: memref<!tpu.dma_semaphore, #tpu.memory_space<semaphore_mem>>) attributes {dimension_semantics = [#tpu.dimension_semantics<core_parallel>, #tpu.dimension_semantics<subcore_parallel>], iteration_bounds = array<i64: 2, 16>, scalar_prefetch = 0 : i64, scratch_operands = 7 : i64, tpu.core_type = #tpu.core_type<sc_vector_subcore>, window_params = [{transform_indices = #map}, {transform_indices = #map1}, {transform_indices = #map1}]} {
    %mul3A = arith.constant 2 : i32
    %mul3A_0 = arith.muli %arg1, %mul3A : i32
    %add3A = arith.addi %mul3A_0, %arg0 : i32
    %mul3A_1 = arith.constant 6400 : i32
    %mul3A_2 = arith.muli %add3A, %mul3A_1 : i32
    "tpu.region"() ({
      %run_scoped3A = tpu.sem_alloc : memref<!tpu.dma_semaphore, #tpu.memory_space<semaphore_mem>>
      %dma_start3A_81 = tpu.memref_slice %arg2[%mul3A_2] : memref<204800xi32, #tpu.memory_space<hbm>> -> memref<6400xi32, #tpu.memory_space<hbm>>
      %dma_start3A_82 = tpu.memref_slice %arg2[%mul3A_2] : memref<204800xi32, #tpu.memory_space<hbm>> -> memref<6400xi32, #tpu.memory_space<hbm>>
      tpu.enqueue_dma source(%dma_start3A_82 : memref<6400xi32, #tpu.memory_space<hbm>>) target(%arg5 : memref<6400xi32, #tpu.memory_space<vmem>>) target_semaphore(%run_scoped3A : memref<!tpu.dma_semaphore, #tpu.memory_space<semaphore_mem>>)
      %dma_wait3A_83 = tpu.memref_slice %arg2[%mul3A_2] : memref<204800xi32, #tpu.memory_space<hbm>> -> memref<6400xi32, #tpu.memory_space<hbm>>
      %dma_wait3A_84 = tpu.memref_slice %arg2[%mul3A_2] : memref<204800xi32, #tpu.memory_space<hbm>> -> memref<6400xi32, #tpu.memory_space<hbm>>
      tpu.wait_dma2 semaphore(%run_scoped3A : memref<!tpu.dma_semaphore, #tpu.memory_space<semaphore_mem>>) src(%dma_wait3A_84 : memref<6400xi32, #tpu.memory_space<hbm>>) dst(%arg5 : memref<6400xi32, #tpu.memory_space<vmem>>)
      tpu.yield
    }) : () -> ()
    %dma_start3A = arith.constant 0 : i32
    %dma_start3A_3 = tpu.memref_slice %arg5[%dma_start3A] : memref<6400xi32, #tpu.memory_space<vmem>> -> memref<1600xi32, #tpu.memory_space<vmem>>
    %dma_start3A_4 = arith.constant 0 : i32
    %dma_start3A_5 = arith.constant 0 : i32
    %dma_start3A_6 = tpu.memref_slice %arg3[%dma_start3A_4, %dma_start3A_5] : memref<100000x64xbf16, #tpu.memory_space<hbm>> -> memref<100000x64xbf16, #tpu.memory_space<hbm>>
    tpu.enqueue_indirect_dma source(%dma_start3A_6 : memref<100000x64xbf16, #tpu.memory_space<hbm>>) target(%arg6 : memref<1600x64xbf16, #tpu.memory_space<vmem>>) offsets(%dma_start3A_3 : memref<1600xi32, #tpu.memory_space<vmem>>) semaphore(%arg8 : memref<!tpu.dma_semaphore, #tpu.memory_space<semaphore_mem>>)
    %dma_wait3A = arith.constant 0 : i32
    %dma_wait3A_7 = tpu.memref_slice %arg5[%dma_wait3A] : memref<6400xi32, #tpu.memory_space<vmem>> -> memref<1600xi32, #tpu.memory_space<vmem>>
    %dma_wait3A_8 = arith.constant 0 : i32
    %dma_wait3A_9 = arith.constant 0 : i32
    %dma_wait3A_10 = tpu.memref_slice %arg3[%dma_wait3A_8, %dma_wait3A_9] : memref<100000x64xbf16, #tpu.memory_space<hbm>> -> memref<100000x64xbf16, #tpu.memory_space<hbm>>
    tpu.wait_indirect_dma semaphore(%arg8 : memref<!tpu.dma_semaphore, #tpu.memory_space<semaphore_mem>>) src(%dma_wait3A_10 : memref<100000x64xbf16, #tpu.memory_space<hbm>>) dst(%arg6 : memref<1600x64xbf16, #tpu.memory_space<vmem>>)
    %dma_start3A_11 = arith.constant 1600 : i32
    %dma_start3A_12 = tpu.memref_slice %arg5[%dma_start3A_11] : memref<6400xi32, #tpu.memory_space<vmem>> -> memref<1600xi32, #tpu.memory_space<vmem>>
    %dma_start3A_13 = arith.constant 0 : i32
    %dma_start3A_14 = arith.constant 0 : i32
    %dma_start3A_15 = tpu.memref_slice %arg3[%dma_start3A_13, %dma_start3A_14] : memref<100000x64xbf16, #tpu.memory_space<hbm>> -> memref<100000x64xbf16, #tpu.memory_space<hbm>>
    tpu.enqueue_indirect_dma source(%dma_start3A_15 : memref<100000x64xbf16, #tpu.memory_space<hbm>>) target(%arg7 : memref<1600x64xbf16, #tpu.memory_space<vmem>>) offsets(%dma_start3A_12 : memref<1600xi32, #tpu.memory_space<vmem>>) semaphore(%arg9 : memref<!tpu.dma_semaphore, #tpu.memory_space<semaphore_mem>>)
    %add3A_16 = arith.constant 0 : i32
    %add3A_17 = arith.addi %mul3A_2, %add3A_16 : i32
    %dma_start3A_18 = arith.constant 0 : i32
    %dma_start3A_19 = tpu.memref_slice %arg4[%add3A_17, %dma_start3A_18] : memref<204800x64xbf16, #tpu.memory_space<hbm>> -> memref<1600x64xbf16, #tpu.memory_space<hbm>>
    %dma_start3A_20 = arith.constant 0 : i32
    %dma_start3A_21 = tpu.memref_slice %arg4[%add3A_17, %dma_start3A_20] : memref<204800x64xbf16, #tpu.memory_space<hbm>> -> memref<1600x64xbf16, #tpu.memory_space<hbm>>
    tpu.enqueue_dma source(%arg6 : memref<1600x64xbf16, #tpu.memory_space<vmem>>) target(%dma_start3A_21 : memref<1600x64xbf16, #tpu.memory_space<hbm>>) target_semaphore(%arg10 : memref<!tpu.dma_semaphore, #tpu.memory_space<semaphore_mem>>)
    %dma_wait3A_22 = arith.constant 1600 : i32
    %dma_wait3A_23 = tpu.memref_slice %arg5[%dma_wait3A_22] : memref<6400xi32, #tpu.memory_space<vmem>> -> memref<1600xi32, #tpu.memory_space<vmem>>
    %dma_wait3A_24 = arith.constant 0 : i32
    %dma_wait3A_25 = arith.constant 0 : i32
    %dma_wait3A_26 = tpu.memref_slice %arg3[%dma_wait3A_24, %dma_wait3A_25] : memref<100000x64xbf16, #tpu.memory_space<hbm>> -> memref<100000x64xbf16, #tpu.memory_space<hbm>>
    tpu.wait_indirect_dma semaphore(%arg9 : memref<!tpu.dma_semaphore, #tpu.memory_space<semaphore_mem>>) src(%dma_wait3A_26 : memref<100000x64xbf16, #tpu.memory_space<hbm>>) dst(%arg7 : memref<1600x64xbf16, #tpu.memory_space<vmem>>)
    %dma_wait3A_27 = arith.constant 0 : i32
    %dma_wait3A_28 = tpu.memref_slice %arg4[%mul3A_2, %dma_wait3A_27] : memref<204800x64xbf16, #tpu.memory_space<hbm>> -> memref<1600x64xbf16, #tpu.memory_space<hbm>>
    %dma_wait3A_29 = arith.constant 0 : i32
    %dma_wait3A_30 = tpu.memref_slice %arg4[%mul3A_2, %dma_wait3A_29] : memref<204800x64xbf16, #tpu.memory_space<hbm>> -> memref<1600x64xbf16, #tpu.memory_space<hbm>>
    tpu.wait_dma2 semaphore(%arg10 : memref<!tpu.dma_semaphore, #tpu.memory_space<semaphore_mem>>) src(%arg6 : memref<1600x64xbf16, #tpu.memory_space<vmem>>) dst(%dma_wait3A_30 : memref<1600x64xbf16, #tpu.memory_space<hbm>>)
    %dma_start3A_31 = arith.constant 3200 : i32
    %dma_start3A_32 = tpu.memref_slice %arg5[%dma_start3A_31] : memref<6400xi32, #tpu.memory_space<vmem>> -> memref<1600xi32, #tpu.memory_space<vmem>>
    %dma_start3A_33 = arith.constant 0 : i32
    %dma_start3A_34 = arith.constant 0 : i32
    %dma_start3A_35 = tpu.memref_slice %arg3[%dma_start3A_33, %dma_start3A_34] : memref<100000x64xbf16, #tpu.memory_space<hbm>> -> memref<100000x64xbf16, #tpu.memory_space<hbm>>
    tpu.enqueue_indirect_dma source(%dma_start3A_35 : memref<100000x64xbf16, #tpu.memory_space<hbm>>) target(%arg6 : memref<1600x64xbf16, #tpu.memory_space<vmem>>) offsets(%dma_start3A_32 : memref<1600xi32, #tpu.memory_space<vmem>>) semaphore(%arg8 : memref<!tpu.dma_semaphore, #tpu.memory_space<semaphore_mem>>)
    %add3A_36 = arith.constant 1600 : i32
    %add3A_37 = arith.addi %mul3A_2, %add3A_36 : i32
    %dma_start3A_38 = arith.constant 0 : i32
    %dma_start3A_39 = tpu.memref_slice %arg4[%add3A_37, %dma_start3A_38] : memref<204800x64xbf16, #tpu.memory_space<hbm>> -> memref<1600x64xbf16, #tpu.memory_space<hbm>>
    %dma_start3A_40 = arith.constant 0 : i32
    %dma_start3A_41 = tpu.memref_slice %arg4[%add3A_37, %dma_start3A_40] : memref<204800x64xbf16, #tpu.memory_space<hbm>> -> memref<1600x64xbf16, #tpu.memory_space<hbm>>
    tpu.enqueue_dma source(%arg7 : memref<1600x64xbf16, #tpu.memory_space<vmem>>) target(%dma_start3A_41 : memref<1600x64xbf16, #tpu.memory_space<hbm>>) target_semaphore(%arg11 : memref<!tpu.dma_semaphore, #tpu.memory_space<semaphore_mem>>)
    %dma_wait3A_42 = arith.constant 3200 : i32
    %dma_wait3A_43 = tpu.memref_slice %arg5[%dma_wait3A_42] : memref<6400xi32, #tpu.memory_space<vmem>> -> memref<1600xi32, #tpu.memory_space<vmem>>
    %dma_wait3A_44 = arith.constant 0 : i32
    %dma_wait3A_45 = arith.constant 0 : i32
    %dma_wait3A_46 = tpu.memref_slice %arg3[%dma_wait3A_44, %dma_wait3A_45] : memref<100000x64xbf16, #tpu.memory_space<hbm>> -> memref<100000x64xbf16, #tpu.memory_space<hbm>>
    tpu.wait_indirect_dma semaphore(%arg8 : memref<!tpu.dma_semaphore, #tpu.memory_space<semaphore_mem>>) src(%dma_wait3A_46 : memref<100000x64xbf16, #tpu.memory_space<hbm>>) dst(%arg6 : memref<1600x64xbf16, #tpu.memory_space<vmem>>)
    %dma_wait3A_47 = arith.constant 0 : i32
    %dma_wait3A_48 = tpu.memref_slice %arg4[%mul3A_2, %dma_wait3A_47] : memref<204800x64xbf16, #tpu.memory_space<hbm>> -> memref<1600x64xbf16, #tpu.memory_space<hbm>>
    %dma_wait3A_49 = arith.constant 0 : i32
    %dma_wait3A_50 = tpu.memref_slice %arg4[%mul3A_2, %dma_wait3A_49] : memref<204800x64xbf16, #tpu.memory_space<hbm>> -> memref<1600x64xbf16, #tpu.memory_space<hbm>>
    tpu.wait_dma2 semaphore(%arg11 : memref<!tpu.dma_semaphore, #tpu.memory_space<semaphore_mem>>) src(%arg7 : memref<1600x64xbf16, #tpu.memory_space<vmem>>) dst(%dma_wait3A_50 : memref<1600x64xbf16, #tpu.memory_space<hbm>>)
    %dma_start3A_51 = arith.constant 4800 : i32
    %dma_start3A_52 = tpu.memref_slice %arg5[%dma_start3A_51] : memref<6400xi32, #tpu.memory_space<vmem>> -> memref<1600xi32, #tpu.memory_space<vmem>>
    %dma_start3A_53 = arith.constant 0 : i32
    %dma_start3A_54 = arith.constant 0 : i32
    %dma_start3A_55 = tpu.memref_slice %arg3[%dma_start3A_53, %dma_start3A_54] : memref<100000x64xbf16, #tpu.memory_space<hbm>> -> memref<100000x64xbf16, #tpu.memory_space<hbm>>
    tpu.enqueue_indirect_dma source(%dma_start3A_55 : memref<100000x64xbf16, #tpu.memory_space<hbm>>) target(%arg7 : memref<1600x64xbf16, #tpu.memory_space<vmem>>) offsets(%dma_start3A_52 : memref<1600xi32, #tpu.memory_space<vmem>>) semaphore(%arg9 : memref<!tpu.dma_semaphore, #tpu.memory_space<semaphore_mem>>)
    %add3A_56 = arith.constant 3200 : i32
    %add3A_57 = arith.addi %mul3A_2, %add3A_56 : i32
    %dma_start3A_58 = arith.constant 0 : i32
    %dma_start3A_59 = tpu.memref_slice %arg4[%add3A_57, %dma_start3A_58] : memref<204800x64xbf16, #tpu.memory_space<hbm>> -> memref<1600x64xbf16, #tpu.memory_space<hbm>>
    %dma_start3A_60 = arith.constant 0 : i32
    %dma_start3A_61 = tpu.memref_slice %arg4[%add3A_57, %dma_start3A_60] : memref<204800x64xbf16, #tpu.memory_space<hbm>> -> memref<1600x64xbf16, #tpu.memory_space<hbm>>
    tpu.enqueue_dma source(%arg6 : memref<1600x64xbf16, #tpu.memory_space<vmem>>) target(%dma_start3A_61 : memref<1600x64xbf16, #tpu.memory_space<hbm>>) target_semaphore(%arg10 : memref<!tpu.dma_semaphore, #tpu.memory_space<semaphore_mem>>)
    %dma_wait3A_62 = arith.constant 4800 : i32
    %dma_wait3A_63 = tpu.memref_slice %arg5[%dma_wait3A_62] : memref<6400xi32, #tpu.memory_space<vmem>> -> memref<1600xi32, #tpu.memory_space<vmem>>
    %dma_wait3A_64 = arith.constant 0 : i32
    %dma_wait3A_65 = arith.constant 0 : i32
    %dma_wait3A_66 = tpu.memref_slice %arg3[%dma_wait3A_64, %dma_wait3A_65] : memref<100000x64xbf16, #tpu.memory_space<hbm>> -> memref<100000x64xbf16, #tpu.memory_space<hbm>>
    tpu.wait_indirect_dma semaphore(%arg9 : memref<!tpu.dma_semaphore, #tpu.memory_space<semaphore_mem>>) src(%dma_wait3A_66 : memref<100000x64xbf16, #tpu.memory_space<hbm>>) dst(%arg7 : memref<1600x64xbf16, #tpu.memory_space<vmem>>)
    %add3A_67 = arith.constant 4800 : i32
    %add3A_68 = arith.addi %mul3A_2, %add3A_67 : i32
    %dma_start3A_69 = arith.constant 0 : i32
    %dma_start3A_70 = tpu.memref_slice %arg4[%add3A_68, %dma_start3A_69] : memref<204800x64xbf16, #tpu.memory_space<hbm>> -> memref<1600x64xbf16, #tpu.memory_space<hbm>>
    %dma_start3A_71 = arith.constant 0 : i32
    %dma_start3A_72 = tpu.memref_slice %arg4[%add3A_68, %dma_start3A_71] : memref<204800x64xbf16, #tpu.memory_space<hbm>> -> memref<1600x64xbf16, #tpu.memory_space<hbm>>
    tpu.enqueue_dma source(%arg7 : memref<1600x64xbf16, #tpu.memory_space<vmem>>) target(%dma_start3A_72 : memref<1600x64xbf16, #tpu.memory_space<hbm>>) target_semaphore(%arg11 : memref<!tpu.dma_semaphore, #tpu.memory_space<semaphore_mem>>)
    %dma_wait3A_73 = arith.constant 0 : i32
    %dma_wait3A_74 = tpu.memref_slice %arg4[%mul3A_2, %dma_wait3A_73] : memref<204800x64xbf16, #tpu.memory_space<hbm>> -> memref<1600x64xbf16, #tpu.memory_space<hbm>>
    %dma_wait3A_75 = arith.constant 0 : i32
    %dma_wait3A_76 = tpu.memref_slice %arg4[%mul3A_2, %dma_wait3A_75] : memref<204800x64xbf16, #tpu.memory_space<hbm>> -> memref<1600x64xbf16, #tpu.memory_space<hbm>>
    tpu.wait_dma2 semaphore(%arg11 : memref<!tpu.dma_semaphore, #tpu.memory_space<semaphore_mem>>) src(%arg7 : memref<1600x64xbf16, #tpu.memory_space<vmem>>) dst(%dma_wait3A_76 : memref<1600x64xbf16, #tpu.memory_space<hbm>>)
    %dma_wait3A_77 = arith.constant 0 : i32
    %dma_wait3A_78 = tpu.memref_slice %arg4[%mul3A_2, %dma_wait3A_77] : memref<204800x64xbf16, #tpu.memory_space<hbm>> -> memref<1600x64xbf16, #tpu.memory_space<hbm>>
    %dma_wait3A_79 = arith.constant 0 : i32
    %dma_wait3A_80 = tpu.memref_slice %arg4[%mul3A_2, %dma_wait3A_79] : memref<204800x64xbf16, #tpu.memory_space<hbm>> -> memref<1600x64xbf16, #tpu.memory_space<hbm>>
    tpu.wait_dma2 semaphore(%arg10 : memref<!tpu.dma_semaphore, #tpu.memory_space<semaphore_mem>>) src(%arg6 : memref<1600x64xbf16, #tpu.memory_space<vmem>>) dst(%dma_wait3A_80 : memref<1600x64xbf16, #tpu.memory_space<hbm>>)
    return
  }
}

module attributes {stable_mosaic.version = 14 : i64} {
  func.func @_tc_body(%arg0: i32, %arg1: memref<10240x64xbf16, #tpu.memory_space<vmem>>, %arg2: memref<10240x64xbf16, #tpu.memory_space<vmem>>, %arg3: memref<256x512xbf16, #tpu.memory_space<vmem>>, %arg4: memref<256x512xbf16, #tpu.memory_space<vmem>>, %arg5: memref<128x64xf32, #tpu.memory_space<vmem>>, %arg6: memref<128x64xf32, #tpu.memory_space<vmem>>, %arg7: memref<1x64xf32, #tpu.memory_space<vmem>>, %arg8: memref<64x32xf32, #tpu.memory_space<vmem>>, %arg9: memref<1x32xf32, #tpu.memory_space<vmem>>, %arg10: memref<32x6xf32, #tpu.memory_space<vmem>>, %arg11: memref<1x6xf32, #tpu.memory_space<vmem>>, %arg12: memref<1024x6xf32, #tpu.memory_space<vmem>>, %arg13: memref<1024x256xbf16, #tpu.memory_space<vmem>>, %arg14: memref<1024x256xbf16, #tpu.memory_space<vmem>>, %arg15: memref<1024x128xbf16, #tpu.memory_space<vmem>>, %arg16: memref<1024x128xbf16, #tpu.memory_space<vmem>>) attributes {dimension_semantics = [#tpu.dimension_semantics<arbitrary>], iteration_bounds = array<i64: 20>, scalar_prefetch = 0 : i64, scratch_operands = 4 : i64, tpu.core_type = #tpu.core_type<tc>, window_params = [{transform_indices = @transform_0, window_bounds = array<i64: 10240, 64>}, {transform_indices = @transform_1, window_bounds = array<i64: 10240, 64>}, {pipeline_mode = #tpu.pipeline_mode<synchronous>, transform_indices = @transform_2, window_bounds = array<i64: 256, 512>}, {pipeline_mode = #tpu.pipeline_mode<synchronous>, transform_indices = @transform_3, window_bounds = array<i64: 256, 512>}, {pipeline_mode = #tpu.pipeline_mode<synchronous>, transform_indices = @transform_4, window_bounds = array<i64: 128, 64>}, {pipeline_mode = #tpu.pipeline_mode<synchronous>, transform_indices = @transform_5, window_bounds = array<i64: 128, 64>}, {pipeline_mode = #tpu.pipeline_mode<synchronous>, transform_indices = @transform_6, window_bounds = array<i64: 1, 64>}, {pipeline_mode = #tpu.pipeline_mode<synchronous>, transform_indices = @transform_7, window_bounds = array<i64: 64, 32>}, {pipeline_mode = #tpu.pipeline_mode<synchronous>, transform_indices = @transform_8, window_bounds = array<i64: 1, 32>}, {pipeline_mode = #tpu.pipeline_mode<synchronous>, transform_indices = @transform_9, window_bounds = array<i64: 32, 6>}, {pipeline_mode = #tpu.pipeline_mode<synchronous>, transform_indices = @transform_10, window_bounds = array<i64: 1, 6>}, {pipeline_mode = #tpu.pipeline_mode<synchronous>, transform_indices = @transform_11, window_bounds = array<i64: 1024, 6>}]} {
    %eq3A = arith.constant 0 : i32
    %eq3A_0 = arith.cmpi eq, %arg0, %eq3A : i32
    %convert_element_type3A = arith.extui %eq3A_0 : i1 to i32
    %cond3A = arith.constant 0 : i32
    %cond3A_1 = arith.cmpi ne, %convert_element_type3A, %cond3A : i32
    scf.if %cond3A_1 {
      %iota3A = tpu.iota {dimensions = array<i32: 1>} : vector<1024x256xi32>
      %eq3A_1100 = arith.constant 192 : i32
      %eq3A_1101 = vector.broadcast %eq3A_1100 : i32 to vector<1024x256xi32>
      %eq3A_1102 = arith.cmpi eq, %iota3A, %eq3A_1101 : vector<1024x256xi32>
      %jit3A = arith.constant 1.000000e+00 : f32
      %jit3A_1103 = arith.constant 0.000000e+00 : f32
      %broadcast_in_dim3A = vector.broadcast %jit3A : f32 to vector<1024x256xf32>
      %broadcast_in_dim3A_1104 = vector.broadcast %jit3A_1103 : f32 to vector<1024x256xf32>
      %select_n3A = arith.select %eq3A_1102, %broadcast_in_dim3A, %broadcast_in_dim3A_1104 : vector<1024x256xi1>, vector<1024x256xf32>
      %convert_element_type3A_1105 = arith.truncf %select_n3A : vector<1024x256xf32> to vector<1024x256xbf16>
      %swap3A_1106 = arith.constant 0 : index
      %swap3A_1107 = arith.constant 0 : index
      %swap3A_1108 = vector.load %arg13[%swap3A_1106, %swap3A_1107] : memref<1024x256xbf16, #tpu.memory_space<vmem>>, vector<1024x256xbf16>
      tpu.vector_store %arg13[%swap3A_1106, %swap3A_1107], %convert_element_type3A_1105 {strides = array<i32>} : memref<1024x256xbf16, #tpu.memory_space<vmem>>, vector<1024x256xbf16>,
      %swap3A_1109 = arith.constant 0 : index
      %swap3A_1110 = arith.constant 0 : index
      %swap3A_1111 = vector.load %arg14[%swap3A_1109, %swap3A_1110] : memref<1024x256xbf16, #tpu.memory_space<vmem>>, vector<1024x256xbf16>
      tpu.vector_store %arg14[%swap3A_1109, %swap3A_1110], %convert_element_type3A_1105 {strides = array<i32>} : memref<1024x256xbf16, #tpu.memory_space<vmem>>, vector<1024x256xbf16>,
      %broadcast_in_dim3A_1112 = arith.constant 0.000000e+00 : bf16
      %broadcast_in_dim3A_1113 = vector.broadcast %broadcast_in_dim3A_1112 : bf16 to vector<1024x128xbf16>
      %swap3A_1114 = arith.constant 0 : index
      %swap3A_1115 = arith.constant 0 : index
      %swap3A_1116 = vector.load %arg15[%swap3A_1114, %swap3A_1115] : memref<1024x128xbf16, #tpu.memory_space<vmem>>, vector<1024x128xbf16>
      tpu.vector_store %arg15[%swap3A_1114, %swap3A_1115], %broadcast_in_dim3A_1113 {strides = array<i32>} : memref<1024x128xbf16, #tpu.memory_space<vmem>>, vector<1024x128xbf16>,
      %broadcast_in_dim3A_1117 = arith.constant 0.000000e+00 : bf16
      %broadcast_in_dim3A_1118 = vector.broadcast %broadcast_in_dim3A_1117 : bf16 to vector<1024x128xbf16>
      %swap3A_1119 = arith.constant 0 : index
      %swap3A_1120 = arith.constant 0 : index
      %swap3A_1121 = vector.load %arg16[%swap3A_1119, %swap3A_1120] : memref<1024x128xbf16, #tpu.memory_space<vmem>>, vector<1024x128xbf16>
      tpu.vector_store %arg16[%swap3A_1119, %swap3A_1120], %broadcast_in_dim3A_1118 {strides = array<i32>} : memref<1024x128xbf16, #tpu.memory_space<vmem>>, vector<1024x128xbf16>,
    } else {
    }
    %get3A = arith.constant 0 : index
    %get3A_2 = arith.constant 0 : index
    %get3A_3 = vector.load %arg1[%get3A, %get3A_2] : memref<10240x64xbf16, #tpu.memory_space<vmem>>, vector<1024x64xbf16>
    %swap3A = arith.constant 0 : index
    %swap3A_4 = arith.constant 128 : index
    %swap3A_5 = vector.load %arg13[%swap3A, %swap3A_4] : memref<1024x256xbf16, #tpu.memory_space<vmem>>, vector<1024x64xbf16>
    tpu.vector_store %arg13[%swap3A, %swap3A_4], %get3A_3 {strides = array<i32>} : memref<1024x256xbf16, #tpu.memory_space<vmem>>, vector<1024x64xbf16>,
    %get3A_6 = arith.constant 0 : index
    %get3A_7 = arith.constant 0 : index
    %get3A_8 = vector.load %arg13[%get3A_6, %get3A_7] : memref<1024x256xbf16, #tpu.memory_space<vmem>>, vector<1024x256xbf16>
    %get3A_9 = arith.constant 0 : index
    %get3A_10 = arith.constant 0 : index
    %get3A_11 = vector.load %arg3[%get3A_9, %get3A_10] : memref<256x512xbf16, #tpu.memory_space<vmem>>, vector<256x512xbf16>
    %dot_general3A = arith.constant dense<0.000000e+00> : vector<1024x512xf32>
    %dot_general3A_12 = tpu.matmul %get3A_8, %get3A_11, %dot_general3A {dimension_numbers = #tpu.dot_dimension_numbers<[1], [0], [0], [1], [0, 0, 1, 1], [], []>, transpose_lhs_hint = false} : vector<1024x256xbf16>, vector<256x512xbf16>, vector<1024x512xf32> -> vector<1024x512xf32>
    %convert_element_type3A_13 = arith.truncf %dot_general3A_12 : vector<1024x512xf32> to vector<1024x512xbf16>
    %slice3A = vector.extract_strided_slice %convert_element_type3A_13 {offsets = [0, 0], sizes = [1024, 128], strides = [1, 1]} : vector<1024x512xbf16> to vector<1024x128xbf16>
    %tanh3A = math.tanh %slice3A : vector<1024x128xbf16>
    %mul3A = arith.constant 5.000000e-01 : bf16
    %mul3A_14 = vector.broadcast %mul3A : bf16 to vector<1024x128xbf16>
    %mul3A_15 = arith.mulf %mul3A_14, %tanh3A : vector<1024x128xbf16>
    %add3A = arith.constant 5.000000e-01 : bf16
    %add3A_16 = vector.broadcast %add3A : bf16 to vector<1024x128xbf16>
    %add3A_17 = arith.addf %mul3A_15, %add3A_16 : vector<1024x128xbf16>
    %slice3A_18 = vector.extract_strided_slice %convert_element_type3A_13 {offsets = [0, 128], sizes = [1024, 128], strides = [1, 1]} : vector<1024x512xbf16> to vector<1024x128xbf16>
    %tanh3A_19 = math.tanh %slice3A_18 : vector<1024x128xbf16>
    %mul3A_20 = arith.constant 5.000000e-01 : bf16
    %mul3A_21 = vector.broadcast %mul3A_20 : bf16 to vector<1024x128xbf16>
    %mul3A_22 = arith.mulf %mul3A_21, %tanh3A_19 : vector<1024x128xbf16>
    %add3A_23 = arith.constant 5.000000e-01 : bf16
    %add3A_24 = vector.broadcast %add3A_23 : bf16 to vector<1024x128xbf16>
    %add3A_25 = arith.addf %mul3A_22, %add3A_24 : vector<1024x128xbf16>
    %slice3A_26 = vector.extract_strided_slice %convert_element_type3A_13 {offsets = [0, 256], sizes = [1024, 128], strides = [1, 1]} : vector<1024x512xbf16> to vector<1024x128xbf16>
    %tanh3A_27 = math.tanh %slice3A_26 : vector<1024x128xbf16>
    %slice3A_28 = vector.extract_strided_slice %convert_element_type3A_13 {offsets = [0, 384], sizes = [1024, 128], strides = [1, 1]} : vector<1024x512xbf16> to vector<1024x128xbf16>
    %tanh3A_29 = math.tanh %slice3A_28 : vector<1024x128xbf16>
    %mul3A_30 = arith.constant 5.000000e-01 : bf16
    %mul3A_31 = vector.broadcast %mul3A_30 : bf16 to vector<1024x128xbf16>
    %mul3A_32 = arith.mulf %mul3A_31, %tanh3A_29 : vector<1024x128xbf16>
    %add3A_33 = arith.constant 5.000000e-01 : bf16
    %add3A_34 = vector.broadcast %add3A_33 : bf16 to vector<1024x128xbf16>
    %add3A_35 = arith.addf %mul3A_32, %add3A_34 : vector<1024x128xbf16>
    %get3A_36 = arith.constant 0 : index
    %get3A_37 = arith.constant 0 : index
    %get3A_38 = vector.load %arg15[%get3A_36, %get3A_37] : memref<1024x128xbf16, #tpu.memory_space<vmem>>, vector<1024x128xbf16>
    %mul3A_39 = arith.mulf %add3A_25, %get3A_38 : vector<1024x128xbf16>
    %mul3A_40 = arith.mulf %add3A_17, %tanh3A_27 : vector<1024x128xbf16>
    %add3A_41 = arith.addf %mul3A_39, %mul3A_40 : vector<1024x128xbf16>
    %tanh3A_42 = math.tanh %add3A_41 : vector<1024x128xbf16>
    %mul3A_43 = arith.mulf %add3A_35, %tanh3A_42 : vector<1024x128xbf16>
    %swap3A_44 = arith.constant 0 : index
    %swap3A_45 = arith.constant 0 : index
    %swap3A_46 = vector.load %arg15[%swap3A_44, %swap3A_45] : memref<1024x128xbf16, #tpu.memory_space<vmem>>, vector<1024x128xbf16>
    tpu.vector_store %arg15[%swap3A_44, %swap3A_45], %add3A_41 {strides = array<i32>} : memref<1024x128xbf16, #tpu.memory_space<vmem>>, vector<1024x128xbf16>,
    %swap3A_47 = arith.constant 0 : index
    %swap3A_48 = arith.constant 0 : index
    %swap3A_49 = vector.load %arg13[%swap3A_47, %swap3A_48] : memref<1024x256xbf16, #tpu.memory_space<vmem>>, vector<1024x128xbf16>
    tpu.vector_store %arg13[%swap3A_47, %swap3A_48], %mul3A_43 {strides = array<i32>} : memref<1024x256xbf16, #tpu.memory_space<vmem>>, vector<1024x128xbf16>,
    %get3A_50 = arith.constant 1024 : index
    %get3A_51 = arith.constant 0 : index
    %get3A_52 = vector.load %arg1[%get3A_50, %get3A_51] : memref<10240x64xbf16, #tpu.memory_space<vmem>>, vector<1024x64xbf16>
    %swap3A_53 = arith.constant 0 : index
    %swap3A_54 = arith.constant 128 : index
    %swap3A_55 = vector.load %arg13[%swap3A_53, %swap3A_54] : memref<1024x256xbf16, #tpu.memory_space<vmem>>, vector<1024x64xbf16>
    tpu.vector_store %arg13[%swap3A_53, %swap3A_54], %get3A_52 {strides = array<i32>} : memref<1024x256xbf16, #tpu.memory_space<vmem>>, vector<1024x64xbf16>,
    %get3A_56 = arith.constant 0 : index
    %get3A_57 = arith.constant 0 : index
    %get3A_58 = vector.load %arg13[%get3A_56, %get3A_57] : memref<1024x256xbf16, #tpu.memory_space<vmem>>, vector<1024x256xbf16>
    %get3A_59 = arith.constant 0 : index
    %get3A_60 = arith.constant 0 : index
    %get3A_61 = vector.load %arg3[%get3A_59, %get3A_60] : memref<256x512xbf16, #tpu.memory_space<vmem>>, vector<256x512xbf16>
    %dot_general3A_62 = arith.constant dense<0.000000e+00> : vector<1024x512xf32>
    %dot_general3A_63 = tpu.matmul %get3A_58, %get3A_61, %dot_general3A_62 {dimension_numbers = #tpu.dot_dimension_numbers<[1], [0], [0], [1], [0, 0, 1, 1], [], []>, transpose_lhs_hint = false} : vector<1024x256xbf16>, vector<256x512xbf16>, vector<1024x512xf32> -> vector<1024x512xf32>
    %convert_element_type3A_64 = arith.truncf %dot_general3A_63 : vector<1024x512xf32> to vector<1024x512xbf16>
    %slice3A_65 = vector.extract_strided_slice %convert_element_type3A_64 {offsets = [0, 0], sizes = [1024, 128], strides = [1, 1]} : vector<1024x512xbf16> to vector<1024x128xbf16>
    %tanh3A_66 = math.tanh %slice3A_65 : vector<1024x128xbf16>
    %mul3A_67 = arith.constant 5.000000e-01 : bf16
    %mul3A_68 = vector.broadcast %mul3A_67 : bf16 to vector<1024x128xbf16>
    %mul3A_69 = arith.mulf %mul3A_68, %tanh3A_66 : vector<1024x128xbf16>
    %add3A_70 = arith.constant 5.000000e-01 : bf16
    %add3A_71 = vector.broadcast %add3A_70 : bf16 to vector<1024x128xbf16>
    %add3A_72 = arith.addf %mul3A_69, %add3A_71 : vector<1024x128xbf16>
    %slice3A_73 = vector.extract_strided_slice %convert_element_type3A_64 {offsets = [0, 128], sizes = [1024, 128], strides = [1, 1]} : vector<1024x512xbf16> to vector<1024x128xbf16>
    %tanh3A_74 = math.tanh %slice3A_73 : vector<1024x128xbf16>
    %mul3A_75 = arith.constant 5.000000e-01 : bf16
    %mul3A_76 = vector.broadcast %mul3A_75 : bf16 to vector<1024x128xbf16>
    %mul3A_77 = arith.mulf %mul3A_76, %tanh3A_74 : vector<1024x128xbf16>
    %add3A_78 = arith.constant 5.000000e-01 : bf16
    %add3A_79 = vector.broadcast %add3A_78 : bf16 to vector<1024x128xbf16>
    %add3A_80 = arith.addf %mul3A_77, %add3A_79 : vector<1024x128xbf16>
    %slice3A_81 = vector.extract_strided_slice %convert_element_type3A_64 {offsets = [0, 256], sizes = [1024, 128], strides = [1, 1]} : vector<1024x512xbf16> to vector<1024x128xbf16>
    %tanh3A_82 = math.tanh %slice3A_81 : vector<1024x128xbf16>
    %slice3A_83 = vector.extract_strided_slice %convert_element_type3A_64 {offsets = [0, 384], sizes = [1024, 128], strides = [1, 1]} : vector<1024x512xbf16> to vector<1024x128xbf16>
    %tanh3A_84 = math.tanh %slice3A_83 : vector<1024x128xbf16>
    %mul3A_85 = arith.constant 5.000000e-01 : bf16
    %mul3A_86 = vector.broadcast %mul3A_85 : bf16 to vector<1024x128xbf16>
    %mul3A_87 = arith.mulf %mul3A_86, %tanh3A_84 : vector<1024x128xbf16>
    %add3A_88 = arith.constant 5.000000e-01 : bf16
    %add3A_89 = vector.broadcast %add3A_88 : bf16 to vector<1024x128xbf16>
    %add3A_90 = arith.addf %mul3A_87, %add3A_89 : vector<1024x128xbf16>
    %get3A_91 = arith.constant 0 : index
    %get3A_92 = arith.constant 0 : index
    %get3A_93 = vector.load %arg15[%get3A_91, %get3A_92] : memref<1024x128xbf16, #tpu.memory_space<vmem>>, vector<1024x128xbf16>
    %mul3A_94 = arith.mulf %add3A_80, %get3A_93 : vector<1024x128xbf16>
    %mul3A_95 = arith.mulf %add3A_72, %tanh3A_82 : vector<1024x128xbf16>
    %add3A_96 = arith.addf %mul3A_94, %mul3A_95 : vector<1024x128xbf16>
    %tanh3A_97 = math.tanh %add3A_96 : vector<1024x128xbf16>
    %mul3A_98 = arith.mulf %add3A_90, %tanh3A_97 : vector<1024x128xbf16>
    %swap3A_99 = arith.constant 0 : index
    %swap3A_100 = arith.constant 0 : index
    %swap3A_101 = vector.load %arg15[%swap3A_99, %swap3A_100] : memref<1024x128xbf16, #tpu.memory_space<vmem>>, vector<1024x128xbf16>
    tpu.vector_store %arg15[%swap3A_99, %swap3A_100], %add3A_96 {strides = array<i32>} : memref<1024x128xbf16, #tpu.memory_space<vmem>>, vector<1024x128xbf16>,
    %swap3A_102 = arith.constant 0 : index
    %swap3A_103 = arith.constant 0 : index
    %swap3A_104 = vector.load %arg13[%swap3A_102, %swap3A_103] : memref<1024x256xbf16, #tpu.memory_space<vmem>>, vector<1024x128xbf16>
    tpu.vector_store %arg13[%swap3A_102, %swap3A_103], %mul3A_98 {strides = array<i32>} : memref<1024x256xbf16, #tpu.memory_space<vmem>>, vector<1024x128xbf16>,
    %get3A_105 = arith.constant 2048 : index
    %get3A_106 = arith.constant 0 : index
    %get3A_107 = vector.load %arg1[%get3A_105, %get3A_106] : memref<10240x64xbf16, #tpu.memory_space<vmem>>, vector<1024x64xbf16>
    %swap3A_108 = arith.constant 0 : index
    %swap3A_109 = arith.constant 128 : index
    %swap3A_110 = vector.load %arg13[%swap3A_108, %swap3A_109] : memref<1024x256xbf16, #tpu.memory_space<vmem>>, vector<1024x64xbf16>
    tpu.vector_store %arg13[%swap3A_108, %swap3A_109], %get3A_107 {strides = array<i32>} : memref<1024x256xbf16, #tpu.memory_space<vmem>>, vector<1024x64xbf16>,
    %get3A_111 = arith.constant 0 : index
    %get3A_112 = arith.constant 0 : index
    %get3A_113 = vector.load %arg13[%get3A_111, %get3A_112] : memref<1024x256xbf16, #tpu.memory_space<vmem>>, vector<1024x256xbf16>
    %get3A_114 = arith.constant 0 : index
    %get3A_115 = arith.constant 0 : index
    %get3A_116 = vector.load %arg3[%get3A_114, %get3A_115] : memref<256x512xbf16, #tpu.memory_space<vmem>>, vector<256x512xbf16>
    %dot_general3A_117 = arith.constant dense<0.000000e+00> : vector<1024x512xf32>
    %dot_general3A_118 = tpu.matmul %get3A_113, %get3A_116, %dot_general3A_117 {dimension_numbers = #tpu.dot_dimension_numbers<[1], [0], [0], [1], [0, 0, 1, 1], [], []>, transpose_lhs_hint = false} : vector<1024x256xbf16>, vector<256x512xbf16>, vector<1024x512xf32> -> vector<1024x512xf32>
    %convert_element_type3A_119 = arith.truncf %dot_general3A_118 : vector<1024x512xf32> to vector<1024x512xbf16>
    %slice3A_120 = vector.extract_strided_slice %convert_element_type3A_119 {offsets = [0, 0], sizes = [1024, 128], strides = [1, 1]} : vector<1024x512xbf16> to vector<1024x128xbf16>
    %tanh3A_121 = math.tanh %slice3A_120 : vector<1024x128xbf16>
    %mul3A_122 = arith.constant 5.000000e-01 : bf16
    %mul3A_123 = vector.broadcast %mul3A_122 : bf16 to vector<1024x128xbf16>
    %mul3A_124 = arith.mulf %mul3A_123, %tanh3A_121 : vector<1024x128xbf16>
    %add3A_125 = arith.constant 5.000000e-01 : bf16
    %add3A_126 = vector.broadcast %add3A_125 : bf16 to vector<1024x128xbf16>
    %add3A_127 = arith.addf %mul3A_124, %add3A_126 : vector<1024x128xbf16>
    %slice3A_128 = vector.extract_strided_slice %convert_element_type3A_119 {offsets = [0, 128], sizes = [1024, 128], strides = [1, 1]} : vector<1024x512xbf16> to vector<1024x128xbf16>
    %tanh3A_129 = math.tanh %slice3A_128 : vector<1024x128xbf16>
    %mul3A_130 = arith.constant 5.000000e-01 : bf16
    %mul3A_131 = vector.broadcast %mul3A_130 : bf16 to vector<1024x128xbf16>
    %mul3A_132 = arith.mulf %mul3A_131, %tanh3A_129 : vector<1024x128xbf16>
    %add3A_133 = arith.constant 5.000000e-01 : bf16
    %add3A_134 = vector.broadcast %add3A_133 : bf16 to vector<1024x128xbf16>
    %add3A_135 = arith.addf %mul3A_132, %add3A_134 : vector<1024x128xbf16>
    %slice3A_136 = vector.extract_strided_slice %convert_element_type3A_119 {offsets = [0, 256], sizes = [1024, 128], strides = [1, 1]} : vector<1024x512xbf16> to vector<1024x128xbf16>
    %tanh3A_137 = math.tanh %slice3A_136 : vector<1024x128xbf16>
    %slice3A_138 = vector.extract_strided_slice %convert_element_type3A_119 {offsets = [0, 384], sizes = [1024, 128], strides = [1, 1]} : vector<1024x512xbf16> to vector<1024x128xbf16>
    %tanh3A_139 = math.tanh %slice3A_138 : vector<1024x128xbf16>
    %mul3A_140 = arith.constant 5.000000e-01 : bf16
    %mul3A_141 = vector.broadcast %mul3A_140 : bf16 to vector<1024x128xbf16>
    %mul3A_142 = arith.mulf %mul3A_141, %tanh3A_139 : vector<1024x128xbf16>
    %add3A_143 = arith.constant 5.000000e-01 : bf16
    %add3A_144 = vector.broadcast %add3A_143 : bf16 to vector<1024x128xbf16>
    %add3A_145 = arith.addf %mul3A_142, %add3A_144 : vector<1024x128xbf16>
    %get3A_146 = arith.constant 0 : index
    %get3A_147 = arith.constant 0 : index
    %get3A_148 = vector.load %arg15[%get3A_146, %get3A_147] : memref<1024x128xbf16, #tpu.memory_space<vmem>>, vector<1024x128xbf16>
    %mul3A_149 = arith.mulf %add3A_135, %get3A_148 : vector<1024x128xbf16>
    %mul3A_150 = arith.mulf %add3A_127, %tanh3A_137 : vector<1024x128xbf16>
    %add3A_151 = arith.addf %mul3A_149, %mul3A_150 : vector<1024x128xbf16>
    %tanh3A_152 = math.tanh %add3A_151 : vector<1024x128xbf16>
    %mul3A_153 = arith.mulf %add3A_145, %tanh3A_152 : vector<1024x128xbf16>
    %swap3A_154 = arith.constant 0 : index
    %swap3A_155 = arith.constant 0 : index
    %swap3A_156 = vector.load %arg15[%swap3A_154, %swap3A_155] : memref<1024x128xbf16, #tpu.memory_space<vmem>>, vector<1024x128xbf16>
    tpu.vector_store %arg15[%swap3A_154, %swap3A_155], %add3A_151 {strides = array<i32>} : memref<1024x128xbf16, #tpu.memory_space<vmem>>, vector<1024x128xbf16>,
    %swap3A_157 = arith.constant 0 : index
    %swap3A_158 = arith.constant 0 : index
    %swap3A_159 = vector.load %arg13[%swap3A_157, %swap3A_158] : memref<1024x256xbf16, #tpu.memory_space<vmem>>, vector<1024x128xbf16>
    tpu.vector_store %arg13[%swap3A_157, %swap3A_158], %mul3A_153 {strides = array<i32>} : memref<1024x256xbf16, #tpu.memory_space<vmem>>, vector<1024x128xbf16>,
    %get3A_160 = arith.constant 3072 : index
    %get3A_161 = arith.constant 0 : index
    %get3A_162 = vector.load %arg1[%get3A_160, %get3A_161] : memref<10240x64xbf16, #tpu.memory_space<vmem>>, vector<1024x64xbf16>
    %swap3A_163 = arith.constant 0 : index
    %swap3A_164 = arith.constant 128 : index
    %swap3A_165 = vector.load %arg13[%swap3A_163, %swap3A_164] : memref<1024x256xbf16, #tpu.memory_space<vmem>>, vector<1024x64xbf16>
    tpu.vector_store %arg13[%swap3A_163, %swap3A_164], %get3A_162 {strides = array<i32>} : memref<1024x256xbf16, #tpu.memory_space<vmem>>, vector<1024x64xbf16>,
    %get3A_166 = arith.constant 0 : index
    %get3A_167 = arith.constant 0 : index
    %get3A_168 = vector.load %arg13[%get3A_166, %get3A_167] : memref<1024x256xbf16, #tpu.memory_space<vmem>>, vector<1024x256xbf16>
    %get3A_169 = arith.constant 0 : index
    %get3A_170 = arith.constant 0 : index
    %get3A_171 = vector.load %arg3[%get3A_169, %get3A_170] : memref<256x512xbf16, #tpu.memory_space<vmem>>, vector<256x512xbf16>
    %dot_general3A_172 = arith.constant dense<0.000000e+00> : vector<1024x512xf32>
    %dot_general3A_173 = tpu.matmul %get3A_168, %get3A_171, %dot_general3A_172 {dimension_numbers = #tpu.dot_dimension_numbers<[1], [0], [0], [1], [0, 0, 1, 1], [], []>, transpose_lhs_hint = false} : vector<1024x256xbf16>, vector<256x512xbf16>, vector<1024x512xf32> -> vector<1024x512xf32>
    %convert_element_type3A_174 = arith.truncf %dot_general3A_173 : vector<1024x512xf32> to vector<1024x512xbf16>
    %slice3A_175 = vector.extract_strided_slice %convert_element_type3A_174 {offsets = [0, 0], sizes = [1024, 128], strides = [1, 1]} : vector<1024x512xbf16> to vector<1024x128xbf16>
    %tanh3A_176 = math.tanh %slice3A_175 : vector<1024x128xbf16>
    %mul3A_177 = arith.constant 5.000000e-01 : bf16
    %mul3A_178 = vector.broadcast %mul3A_177 : bf16 to vector<1024x128xbf16>
    %mul3A_179 = arith.mulf %mul3A_178, %tanh3A_176 : vector<1024x128xbf16>
    %add3A_180 = arith.constant 5.000000e-01 : bf16
    %add3A_181 = vector.broadcast %add3A_180 : bf16 to vector<1024x128xbf16>
    %add3A_182 = arith.addf %mul3A_179, %add3A_181 : vector<1024x128xbf16>
    %slice3A_183 = vector.extract_strided_slice %convert_element_type3A_174 {offsets = [0, 128], sizes = [1024, 128], strides = [1, 1]} : vector<1024x512xbf16> to vector<1024x128xbf16>
    %tanh3A_184 = math.tanh %slice3A_183 : vector<1024x128xbf16>
    %mul3A_185 = arith.constant 5.000000e-01 : bf16
    %mul3A_186 = vector.broadcast %mul3A_185 : bf16 to vector<1024x128xbf16>
    %mul3A_187 = arith.mulf %mul3A_186, %tanh3A_184 : vector<1024x128xbf16>
    %add3A_188 = arith.constant 5.000000e-01 : bf16
    %add3A_189 = vector.broadcast %add3A_188 : bf16 to vector<1024x128xbf16>
    %add3A_190 = arith.addf %mul3A_187, %add3A_189 : vector<1024x128xbf16>
    %slice3A_191 = vector.extract_strided_slice %convert_element_type3A_174 {offsets = [0, 256], sizes = [1024, 128], strides = [1, 1]} : vector<1024x512xbf16> to vector<1024x128xbf16>
    %tanh3A_192 = math.tanh %slice3A_191 : vector<1024x128xbf16>
    %slice3A_193 = vector.extract_strided_slice %convert_element_type3A_174 {offsets = [0, 384], sizes = [1024, 128], strides = [1, 1]} : vector<1024x512xbf16> to vector<1024x128xbf16>
    %tanh3A_194 = math.tanh %slice3A_193 : vector<1024x128xbf16>
    %mul3A_195 = arith.constant 5.000000e-01 : bf16
    %mul3A_196 = vector.broadcast %mul3A_195 : bf16 to vector<1024x128xbf16>
    %mul3A_197 = arith.mulf %mul3A_196, %tanh3A_194 : vector<1024x128xbf16>
    %add3A_198 = arith.constant 5.000000e-01 : bf16
    %add3A_199 = vector.broadcast %add3A_198 : bf16 to vector<1024x128xbf16>
    %add3A_200 = arith.addf %mul3A_197, %add3A_199 : vector<1024x128xbf16>
    %get3A_201 = arith.constant 0 : index
    %get3A_202 = arith.constant 0 : index
    %get3A_203 = vector.load %arg15[%get3A_201, %get3A_202] : memref<1024x128xbf16, #tpu.memory_space<vmem>>, vector<1024x128xbf16>
    %mul3A_204 = arith.mulf %add3A_190, %get3A_203 : vector<1024x128xbf16>
    %mul3A_205 = arith.mulf %add3A_182, %tanh3A_192 : vector<1024x128xbf16>
    %add3A_206 = arith.addf %mul3A_204, %mul3A_205 : vector<1024x128xbf16>
    %tanh3A_207 = math.tanh %add3A_206 : vector<1024x128xbf16>
    %mul3A_208 = arith.mulf %add3A_200, %tanh3A_207 : vector<1024x128xbf16>
    %swap3A_209 = arith.constant 0 : index
    %swap3A_210 = arith.constant 0 : index
    %swap3A_211 = vector.load %arg15[%swap3A_209, %swap3A_210] : memref<1024x128xbf16, #tpu.memory_space<vmem>>, vector<1024x128xbf16>
    tpu.vector_store %arg15[%swap3A_209, %swap3A_210], %add3A_206 {strides = array<i32>} : memref<1024x128xbf16, #tpu.memory_space<vmem>>, vector<1024x128xbf16>,
    %swap3A_212 = arith.constant 0 : index
    %swap3A_213 = arith.constant 0 : index
    %swap3A_214 = vector.load %arg13[%swap3A_212, %swap3A_213] : memref<1024x256xbf16, #tpu.memory_space<vmem>>, vector<1024x128xbf16>
    tpu.vector_store %arg13[%swap3A_212, %swap3A_213], %mul3A_208 {strides = array<i32>} : memref<1024x256xbf16, #tpu.memory_space<vmem>>, vector<1024x128xbf16>,
    %get3A_215 = arith.constant 4096 : index
    %get3A_216 = arith.constant 0 : index
    %get3A_217 = vector.load %arg1[%get3A_215, %get3A_216] : memref<10240x64xbf16, #tpu.memory_space<vmem>>, vector<1024x64xbf16>
    %swap3A_218 = arith.constant 0 : index
    %swap3A_219 = arith.constant 128 : index
    %swap3A_220 = vector.load %arg13[%swap3A_218, %swap3A_219] : memref<1024x256xbf16, #tpu.memory_space<vmem>>, vector<1024x64xbf16>
    tpu.vector_store %arg13[%swap3A_218, %swap3A_219], %get3A_217 {strides = array<i32>} : memref<1024x256xbf16, #tpu.memory_space<vmem>>, vector<1024x64xbf16>,
    %get3A_221 = arith.constant 0 : index
    %get3A_222 = arith.constant 0 : index
    %get3A_223 = vector.load %arg13[%get3A_221, %get3A_222] : memref<1024x256xbf16, #tpu.memory_space<vmem>>, vector<1024x256xbf16>
    %get3A_224 = arith.constant 0 : index
    %get3A_225 = arith.constant 0 : index
    %get3A_226 = vector.load %arg3[%get3A_224, %get3A_225] : memref<256x512xbf16, #tpu.memory_space<vmem>>, vector<256x512xbf16>
    %dot_general3A_227 = arith.constant dense<0.000000e+00> : vector<1024x512xf32>
    %dot_general3A_228 = tpu.matmul %get3A_223, %get3A_226, %dot_general3A_227 {dimension_numbers = #tpu.dot_dimension_numbers<[1], [0], [0], [1], [0, 0, 1, 1], [], []>, transpose_lhs_hint = false} : vector<1024x256xbf16>, vector<256x512xbf16>, vector<1024x512xf32> -> vector<1024x512xf32>
    %convert_element_type3A_229 = arith.truncf %dot_general3A_228 : vector<1024x512xf32> to vector<1024x512xbf16>
    %slice3A_230 = vector.extract_strided_slice %convert_element_type3A_229 {offsets = [0, 0], sizes = [1024, 128], strides = [1, 1]} : vector<1024x512xbf16> to vector<1024x128xbf16>
    %tanh3A_231 = math.tanh %slice3A_230 : vector<1024x128xbf16>
    %mul3A_232 = arith.constant 5.000000e-01 : bf16
    %mul3A_233 = vector.broadcast %mul3A_232 : bf16 to vector<1024x128xbf16>
    %mul3A_234 = arith.mulf %mul3A_233, %tanh3A_231 : vector<1024x128xbf16>
    %add3A_235 = arith.constant 5.000000e-01 : bf16
    %add3A_236 = vector.broadcast %add3A_235 : bf16 to vector<1024x128xbf16>
    %add3A_237 = arith.addf %mul3A_234, %add3A_236 : vector<1024x128xbf16>
    %slice3A_238 = vector.extract_strided_slice %convert_element_type3A_229 {offsets = [0, 128], sizes = [1024, 128], strides = [1, 1]} : vector<1024x512xbf16> to vector<1024x128xbf16>
    %tanh3A_239 = math.tanh %slice3A_238 : vector<1024x128xbf16>
    %mul3A_240 = arith.constant 5.000000e-01 : bf16
    %mul3A_241 = vector.broadcast %mul3A_240 : bf16 to vector<1024x128xbf16>
    %mul3A_242 = arith.mulf %mul3A_241, %tanh3A_239 : vector<1024x128xbf16>
    %add3A_243 = arith.constant 5.000000e-01 : bf16
    %add3A_244 = vector.broadcast %add3A_243 : bf16 to vector<1024x128xbf16>
    %add3A_245 = arith.addf %mul3A_242, %add3A_244 : vector<1024x128xbf16>
    %slice3A_246 = vector.extract_strided_slice %convert_element_type3A_229 {offsets = [0, 256], sizes = [1024, 128], strides = [1, 1]} : vector<1024x512xbf16> to vector<1024x128xbf16>
    %tanh3A_247 = math.tanh %slice3A_246 : vector<1024x128xbf16>
    %slice3A_248 = vector.extract_strided_slice %convert_element_type3A_229 {offsets = [0, 384], sizes = [1024, 128], strides = [1, 1]} : vector<1024x512xbf16> to vector<1024x128xbf16>
    %tanh3A_249 = math.tanh %slice3A_248 : vector<1024x128xbf16>
    %mul3A_250 = arith.constant 5.000000e-01 : bf16
    %mul3A_251 = vector.broadcast %mul3A_250 : bf16 to vector<1024x128xbf16>
    %mul3A_252 = arith.mulf %mul3A_251, %tanh3A_249 : vector<1024x128xbf16>
    %add3A_253 = arith.constant 5.000000e-01 : bf16
    %add3A_254 = vector.broadcast %add3A_253 : bf16 to vector<1024x128xbf16>
    %add3A_255 = arith.addf %mul3A_252, %add3A_254 : vector<1024x128xbf16>
    %get3A_256 = arith.constant 0 : index
    %get3A_257 = arith.constant 0 : index
    %get3A_258 = vector.load %arg15[%get3A_256, %get3A_257] : memref<1024x128xbf16, #tpu.memory_space<vmem>>, vector<1024x128xbf16>
    %mul3A_259 = arith.mulf %add3A_245, %get3A_258 : vector<1024x128xbf16>
    %mul3A_260 = arith.mulf %add3A_237, %tanh3A_247 : vector<1024x128xbf16>
    %add3A_261 = arith.addf %mul3A_259, %mul3A_260 : vector<1024x128xbf16>
    %tanh3A_262 = math.tanh %add3A_261 : vector<1024x128xbf16>
    %mul3A_263 = arith.mulf %add3A_255, %tanh3A_262 : vector<1024x128xbf16>
    %swap3A_264 = arith.constant 0 : index
    %swap3A_265 = arith.constant 0 : index
    %swap3A_266 = vector.load %arg15[%swap3A_264, %swap3A_265] : memref<1024x128xbf16, #tpu.memory_space<vmem>>, vector<1024x128xbf16>
    tpu.vector_store %arg15[%swap3A_264, %swap3A_265], %add3A_261 {strides = array<i32>} : memref<1024x128xbf16, #tpu.memory_space<vmem>>, vector<1024x128xbf16>,
    %swap3A_267 = arith.constant 0 : index
    %swap3A_268 = arith.constant 0 : index
    %swap3A_269 = vector.load %arg13[%swap3A_267, %swap3A_268] : memref<1024x256xbf16, #tpu.memory_space<vmem>>, vector<1024x128xbf16>
    tpu.vector_store %arg13[%swap3A_267, %swap3A_268], %mul3A_263 {strides = array<i32>} : memref<1024x256xbf16, #tpu.memory_space<vmem>>, vector<1024x128xbf16>,
    %get3A_270 = arith.constant 5120 : index
    %get3A_271 = arith.constant 0 : index
    %get3A_272 = vector.load %arg1[%get3A_270, %get3A_271] : memref<10240x64xbf16, #tpu.memory_space<vmem>>, vector<1024x64xbf16>
    %swap3A_273 = arith.constant 0 : index
    %swap3A_274 = arith.constant 128 : index
    %swap3A_275 = vector.load %arg13[%swap3A_273, %swap3A_274] : memref<1024x256xbf16, #tpu.memory_space<vmem>>, vector<1024x64xbf16>
    tpu.vector_store %arg13[%swap3A_273, %swap3A_274], %get3A_272 {strides = array<i32>} : memref<1024x256xbf16, #tpu.memory_space<vmem>>, vector<1024x64xbf16>,
    %get3A_276 = arith.constant 0 : index
    %get3A_277 = arith.constant 0 : index
    %get3A_278 = vector.load %arg13[%get3A_276, %get3A_277] : memref<1024x256xbf16, #tpu.memory_space<vmem>>, vector<1024x256xbf16>
    %get3A_279 = arith.constant 0 : index
    %get3A_280 = arith.constant 0 : index
    %get3A_281 = vector.load %arg3[%get3A_279, %get3A_280] : memref<256x512xbf16, #tpu.memory_space<vmem>>, vector<256x512xbf16>
    %dot_general3A_282 = arith.constant dense<0.000000e+00> : vector<1024x512xf32>
    %dot_general3A_283 = tpu.matmul %get3A_278, %get3A_281, %dot_general3A_282 {dimension_numbers = #tpu.dot_dimension_numbers<[1], [0], [0], [1], [0, 0, 1, 1], [], []>, transpose_lhs_hint = false} : vector<1024x256xbf16>, vector<256x512xbf16>, vector<1024x512xf32> -> vector<1024x512xf32>
    %convert_element_type3A_284 = arith.truncf %dot_general3A_283 : vector<1024x512xf32> to vector<1024x512xbf16>
    %slice3A_285 = vector.extract_strided_slice %convert_element_type3A_284 {offsets = [0, 0], sizes = [1024, 128], strides = [1, 1]} : vector<1024x512xbf16> to vector<1024x128xbf16>
    %tanh3A_286 = math.tanh %slice3A_285 : vector<1024x128xbf16>
    %mul3A_287 = arith.constant 5.000000e-01 : bf16
    %mul3A_288 = vector.broadcast %mul3A_287 : bf16 to vector<1024x128xbf16>
    %mul3A_289 = arith.mulf %mul3A_288, %tanh3A_286 : vector<1024x128xbf16>
    %add3A_290 = arith.constant 5.000000e-01 : bf16
    %add3A_291 = vector.broadcast %add3A_290 : bf16 to vector<1024x128xbf16>
    %add3A_292 = arith.addf %mul3A_289, %add3A_291 : vector<1024x128xbf16>
    %slice3A_293 = vector.extract_strided_slice %convert_element_type3A_284 {offsets = [0, 128], sizes = [1024, 128], strides = [1, 1]} : vector<1024x512xbf16> to vector<1024x128xbf16>
    %tanh3A_294 = math.tanh %slice3A_293 : vector<1024x128xbf16>
    %mul3A_295 = arith.constant 5.000000e-01 : bf16
    %mul3A_296 = vector.broadcast %mul3A_295 : bf16 to vector<1024x128xbf16>
    %mul3A_297 = arith.mulf %mul3A_296, %tanh3A_294 : vector<1024x128xbf16>
    %add3A_298 = arith.constant 5.000000e-01 : bf16
    %add3A_299 = vector.broadcast %add3A_298 : bf16 to vector<1024x128xbf16>
    %add3A_300 = arith.addf %mul3A_297, %add3A_299 : vector<1024x128xbf16>
    %slice3A_301 = vector.extract_strided_slice %convert_element_type3A_284 {offsets = [0, 256], sizes = [1024, 128], strides = [1, 1]} : vector<1024x512xbf16> to vector<1024x128xbf16>
    %tanh3A_302 = math.tanh %slice3A_301 : vector<1024x128xbf16>
    %slice3A_303 = vector.extract_strided_slice %convert_element_type3A_284 {offsets = [0, 384], sizes = [1024, 128], strides = [1, 1]} : vector<1024x512xbf16> to vector<1024x128xbf16>
    %tanh3A_304 = math.tanh %slice3A_303 : vector<1024x128xbf16>
    %mul3A_305 = arith.constant 5.000000e-01 : bf16
    %mul3A_306 = vector.broadcast %mul3A_305 : bf16 to vector<1024x128xbf16>
    %mul3A_307 = arith.mulf %mul3A_306, %tanh3A_304 : vector<1024x128xbf16>
    %add3A_308 = arith.constant 5.000000e-01 : bf16
    %add3A_309 = vector.broadcast %add3A_308 : bf16 to vector<1024x128xbf16>
    %add3A_310 = arith.addf %mul3A_307, %add3A_309 : vector<1024x128xbf16>
    %get3A_311 = arith.constant 0 : index
    %get3A_312 = arith.constant 0 : index
    %get3A_313 = vector.load %arg15[%get3A_311, %get3A_312] : memref<1024x128xbf16, #tpu.memory_space<vmem>>, vector<1024x128xbf16>
    %mul3A_314 = arith.mulf %add3A_300, %get3A_313 : vector<1024x128xbf16>
    %mul3A_315 = arith.mulf %add3A_292, %tanh3A_302 : vector<1024x128xbf16>
    %add3A_316 = arith.addf %mul3A_314, %mul3A_315 : vector<1024x128xbf16>
    %tanh3A_317 = math.tanh %add3A_316 : vector<1024x128xbf16>
    %mul3A_318 = arith.mulf %add3A_310, %tanh3A_317 : vector<1024x128xbf16>
    %swap3A_319 = arith.constant 0 : index
    %swap3A_320 = arith.constant 0 : index
    %swap3A_321 = vector.load %arg15[%swap3A_319, %swap3A_320] : memref<1024x128xbf16, #tpu.memory_space<vmem>>, vector<1024x128xbf16>
    tpu.vector_store %arg15[%swap3A_319, %swap3A_320], %add3A_316 {strides = array<i32>} : memref<1024x128xbf16, #tpu.memory_space<vmem>>, vector<1024x128xbf16>,
    %swap3A_322 = arith.constant 0 : index
    %swap3A_323 = arith.constant 0 : index
    %swap3A_324 = vector.load %arg13[%swap3A_322, %swap3A_323] : memref<1024x256xbf16, #tpu.memory_space<vmem>>, vector<1024x128xbf16>
    tpu.vector_store %arg13[%swap3A_322, %swap3A_323], %mul3A_318 {strides = array<i32>} : memref<1024x256xbf16, #tpu.memory_space<vmem>>, vector<1024x128xbf16>,
    %get3A_325 = arith.constant 6144 : index
    %get3A_326 = arith.constant 0 : index
    %get3A_327 = vector.load %arg1[%get3A_325, %get3A_326] : memref<10240x64xbf16, #tpu.memory_space<vmem>>, vector<1024x64xbf16>
    %swap3A_328 = arith.constant 0 : index
    %swap3A_329 = arith.constant 128 : index
    %swap3A_330 = vector.load %arg13[%swap3A_328, %swap3A_329] : memref<1024x256xbf16, #tpu.memory_space<vmem>>, vector<1024x64xbf16>
    tpu.vector_store %arg13[%swap3A_328, %swap3A_329], %get3A_327 {strides = array<i32>} : memref<1024x256xbf16, #tpu.memory_space<vmem>>, vector<1024x64xbf16>,
    %get3A_331 = arith.constant 0 : index
    %get3A_332 = arith.constant 0 : index
    %get3A_333 = vector.load %arg13[%get3A_331, %get3A_332] : memref<1024x256xbf16, #tpu.memory_space<vmem>>, vector<1024x256xbf16>
    %get3A_334 = arith.constant 0 : index
    %get3A_335 = arith.constant 0 : index
    %get3A_336 = vector.load %arg3[%get3A_334, %get3A_335] : memref<256x512xbf16, #tpu.memory_space<vmem>>, vector<256x512xbf16>
    %dot_general3A_337 = arith.constant dense<0.000000e+00> : vector<1024x512xf32>
    %dot_general3A_338 = tpu.matmul %get3A_333, %get3A_336, %dot_general3A_337 {dimension_numbers = #tpu.dot_dimension_numbers<[1], [0], [0], [1], [0, 0, 1, 1], [], []>, transpose_lhs_hint = false} : vector<1024x256xbf16>, vector<256x512xbf16>, vector<1024x512xf32> -> vector<1024x512xf32>
    %convert_element_type3A_339 = arith.truncf %dot_general3A_338 : vector<1024x512xf32> to vector<1024x512xbf16>
    %slice3A_340 = vector.extract_strided_slice %convert_element_type3A_339 {offsets = [0, 0], sizes = [1024, 128], strides = [1, 1]} : vector<1024x512xbf16> to vector<1024x128xbf16>
    %tanh3A_341 = math.tanh %slice3A_340 : vector<1024x128xbf16>
    %mul3A_342 = arith.constant 5.000000e-01 : bf16
    %mul3A_343 = vector.broadcast %mul3A_342 : bf16 to vector<1024x128xbf16>
    %mul3A_344 = arith.mulf %mul3A_343, %tanh3A_341 : vector<1024x128xbf16>
    %add3A_345 = arith.constant 5.000000e-01 : bf16
    %add3A_346 = vector.broadcast %add3A_345 : bf16 to vector<1024x128xbf16>
    %add3A_347 = arith.addf %mul3A_344, %add3A_346 : vector<1024x128xbf16>
    %slice3A_348 = vector.extract_strided_slice %convert_element_type3A_339 {offsets = [0, 128], sizes = [1024, 128], strides = [1, 1]} : vector<1024x512xbf16> to vector<1024x128xbf16>
    %tanh3A_349 = math.tanh %slice3A_348 : vector<1024x128xbf16>
    %mul3A_350 = arith.constant 5.000000e-01 : bf16
    %mul3A_351 = vector.broadcast %mul3A_350 : bf16 to vector<1024x128xbf16>
    %mul3A_352 = arith.mulf %mul3A_351, %tanh3A_349 : vector<1024x128xbf16>
    %add3A_353 = arith.constant 5.000000e-01 : bf16
    %add3A_354 = vector.broadcast %add3A_353 : bf16 to vector<1024x128xbf16>
    %add3A_355 = arith.addf %mul3A_352, %add3A_354 : vector<1024x128xbf16>
    %slice3A_356 = vector.extract_strided_slice %convert_element_type3A_339 {offsets = [0, 256], sizes = [1024, 128], strides = [1, 1]} : vector<1024x512xbf16> to vector<1024x128xbf16>
    %tanh3A_357 = math.tanh %slice3A_356 : vector<1024x128xbf16>
    %slice3A_358 = vector.extract_strided_slice %convert_element_type3A_339 {offsets = [0, 384], sizes = [1024, 128], strides = [1, 1]} : vector<1024x512xbf16> to vector<1024x128xbf16>
    %tanh3A_359 = math.tanh %slice3A_358 : vector<1024x128xbf16>
    %mul3A_360 = arith.constant 5.000000e-01 : bf16
    %mul3A_361 = vector.broadcast %mul3A_360 : bf16 to vector<1024x128xbf16>
    %mul3A_362 = arith.mulf %mul3A_361, %tanh3A_359 : vector<1024x128xbf16>
    %add3A_363 = arith.constant 5.000000e-01 : bf16
    %add3A_364 = vector.broadcast %add3A_363 : bf16 to vector<1024x128xbf16>
    %add3A_365 = arith.addf %mul3A_362, %add3A_364 : vector<1024x128xbf16>
    %get3A_366 = arith.constant 0 : index
    %get3A_367 = arith.constant 0 : index
    %get3A_368 = vector.load %arg15[%get3A_366, %get3A_367] : memref<1024x128xbf16, #tpu.memory_space<vmem>>, vector<1024x128xbf16>
    %mul3A_369 = arith.mulf %add3A_355, %get3A_368 : vector<1024x128xbf16>
    %mul3A_370 = arith.mulf %add3A_347, %tanh3A_357 : vector<1024x128xbf16>
    %add3A_371 = arith.addf %mul3A_369, %mul3A_370 : vector<1024x128xbf16>
    %tanh3A_372 = math.tanh %add3A_371 : vector<1024x128xbf16>
    %mul3A_373 = arith.mulf %add3A_365, %tanh3A_372 : vector<1024x128xbf16>
    %swap3A_374 = arith.constant 0 : index
    %swap3A_375 = arith.constant 0 : index
    %swap3A_376 = vector.load %arg15[%swap3A_374, %swap3A_375] : memref<1024x128xbf16, #tpu.memory_space<vmem>>, vector<1024x128xbf16>
    tpu.vector_store %arg15[%swap3A_374, %swap3A_375], %add3A_371 {strides = array<i32>} : memref<1024x128xbf16, #tpu.memory_space<vmem>>, vector<1024x128xbf16>,
    %swap3A_377 = arith.constant 0 : index
    %swap3A_378 = arith.constant 0 : index
    %swap3A_379 = vector.load %arg13[%swap3A_377, %swap3A_378] : memref<1024x256xbf16, #tpu.memory_space<vmem>>, vector<1024x128xbf16>
    tpu.vector_store %arg13[%swap3A_377, %swap3A_378], %mul3A_373 {strides = array<i32>} : memref<1024x256xbf16, #tpu.memory_space<vmem>>, vector<1024x128xbf16>,
    %get3A_380 = arith.constant 7168 : index
    %get3A_381 = arith.constant 0 : index
    %get3A_382 = vector.load %arg1[%get3A_380, %get3A_381] : memref<10240x64xbf16, #tpu.memory_space<vmem>>, vector<1024x64xbf16>
    %swap3A_383 = arith.constant 0 : index
    %swap3A_384 = arith.constant 128 : index
    %swap3A_385 = vector.load %arg13[%swap3A_383, %swap3A_384] : memref<1024x256xbf16, #tpu.memory_space<vmem>>, vector<1024x64xbf16>
    tpu.vector_store %arg13[%swap3A_383, %swap3A_384], %get3A_382 {strides = array<i32>} : memref<1024x256xbf16, #tpu.memory_space<vmem>>, vector<1024x64xbf16>,
    %get3A_386 = arith.constant 0 : index
    %get3A_387 = arith.constant 0 : index
    %get3A_388 = vector.load %arg13[%get3A_386, %get3A_387] : memref<1024x256xbf16, #tpu.memory_space<vmem>>, vector<1024x256xbf16>
    %get3A_389 = arith.constant 0 : index
    %get3A_390 = arith.constant 0 : index
    %get3A_391 = vector.load %arg3[%get3A_389, %get3A_390] : memref<256x512xbf16, #tpu.memory_space<vmem>>, vector<256x512xbf16>
    %dot_general3A_392 = arith.constant dense<0.000000e+00> : vector<1024x512xf32>
    %dot_general3A_393 = tpu.matmul %get3A_388, %get3A_391, %dot_general3A_392 {dimension_numbers = #tpu.dot_dimension_numbers<[1], [0], [0], [1], [0, 0, 1, 1], [], []>, transpose_lhs_hint = false} : vector<1024x256xbf16>, vector<256x512xbf16>, vector<1024x512xf32> -> vector<1024x512xf32>
    %convert_element_type3A_394 = arith.truncf %dot_general3A_393 : vector<1024x512xf32> to vector<1024x512xbf16>
    %slice3A_395 = vector.extract_strided_slice %convert_element_type3A_394 {offsets = [0, 0], sizes = [1024, 128], strides = [1, 1]} : vector<1024x512xbf16> to vector<1024x128xbf16>
    %tanh3A_396 = math.tanh %slice3A_395 : vector<1024x128xbf16>
    %mul3A_397 = arith.constant 5.000000e-01 : bf16
    %mul3A_398 = vector.broadcast %mul3A_397 : bf16 to vector<1024x128xbf16>
    %mul3A_399 = arith.mulf %mul3A_398, %tanh3A_396 : vector<1024x128xbf16>
    %add3A_400 = arith.constant 5.000000e-01 : bf16
    %add3A_401 = vector.broadcast %add3A_400 : bf16 to vector<1024x128xbf16>
    %add3A_402 = arith.addf %mul3A_399, %add3A_401 : vector<1024x128xbf16>
    %slice3A_403 = vector.extract_strided_slice %convert_element_type3A_394 {offsets = [0, 128], sizes = [1024, 128], strides = [1, 1]} : vector<1024x512xbf16> to vector<1024x128xbf16>
    %tanh3A_404 = math.tanh %slice3A_403 : vector<1024x128xbf16>
    %mul3A_405 = arith.constant 5.000000e-01 : bf16
    %mul3A_406 = vector.broadcast %mul3A_405 : bf16 to vector<1024x128xbf16>
    %mul3A_407 = arith.mulf %mul3A_406, %tanh3A_404 : vector<1024x128xbf16>
    %add3A_408 = arith.constant 5.000000e-01 : bf16
    %add3A_409 = vector.broadcast %add3A_408 : bf16 to vector<1024x128xbf16>
    %add3A_410 = arith.addf %mul3A_407, %add3A_409 : vector<1024x128xbf16>
    %slice3A_411 = vector.extract_strided_slice %convert_element_type3A_394 {offsets = [0, 256], sizes = [1024, 128], strides = [1, 1]} : vector<1024x512xbf16> to vector<1024x128xbf16>
    %tanh3A_412 = math.tanh %slice3A_411 : vector<1024x128xbf16>
    %slice3A_413 = vector.extract_strided_slice %convert_element_type3A_394 {offsets = [0, 384], sizes = [1024, 128], strides = [1, 1]} : vector<1024x512xbf16> to vector<1024x128xbf16>
    %tanh3A_414 = math.tanh %slice3A_413 : vector<1024x128xbf16>
    %mul3A_415 = arith.constant 5.000000e-01 : bf16
    %mul3A_416 = vector.broadcast %mul3A_415 : bf16 to vector<1024x128xbf16>
    %mul3A_417 = arith.mulf %mul3A_416, %tanh3A_414 : vector<1024x128xbf16>
    %add3A_418 = arith.constant 5.000000e-01 : bf16
    %add3A_419 = vector.broadcast %add3A_418 : bf16 to vector<1024x128xbf16>
    %add3A_420 = arith.addf %mul3A_417, %add3A_419 : vector<1024x128xbf16>
    %get3A_421 = arith.constant 0 : index
    %get3A_422 = arith.constant 0 : index
    %get3A_423 = vector.load %arg15[%get3A_421, %get3A_422] : memref<1024x128xbf16, #tpu.memory_space<vmem>>, vector<1024x128xbf16>
    %mul3A_424 = arith.mulf %add3A_410, %get3A_423 : vector<1024x128xbf16>
    %mul3A_425 = arith.mulf %add3A_402, %tanh3A_412 : vector<1024x128xbf16>
    %add3A_426 = arith.addf %mul3A_424, %mul3A_425 : vector<1024x128xbf16>
    %tanh3A_427 = math.tanh %add3A_426 : vector<1024x128xbf16>
    %mul3A_428 = arith.mulf %add3A_420, %tanh3A_427 : vector<1024x128xbf16>
    %swap3A_429 = arith.constant 0 : index
    %swap3A_430 = arith.constant 0 : index
    %swap3A_431 = vector.load %arg15[%swap3A_429, %swap3A_430] : memref<1024x128xbf16, #tpu.memory_space<vmem>>, vector<1024x128xbf16>
    tpu.vector_store %arg15[%swap3A_429, %swap3A_430], %add3A_426 {strides = array<i32>} : memref<1024x128xbf16, #tpu.memory_space<vmem>>, vector<1024x128xbf16>,
    %swap3A_432 = arith.constant 0 : index
    %swap3A_433 = arith.constant 0 : index
    %swap3A_434 = vector.load %arg13[%swap3A_432, %swap3A_433] : memref<1024x256xbf16, #tpu.memory_space<vmem>>, vector<1024x128xbf16>
    tpu.vector_store %arg13[%swap3A_432, %swap3A_433], %mul3A_428 {strides = array<i32>} : memref<1024x256xbf16, #tpu.memory_space<vmem>>, vector<1024x128xbf16>,
    %get3A_435 = arith.constant 8192 : index
    %get3A_436 = arith.constant 0 : index
    %get3A_437 = vector.load %arg1[%get3A_435, %get3A_436] : memref<10240x64xbf16, #tpu.memory_space<vmem>>, vector<1024x64xbf16>
    %swap3A_438 = arith.constant 0 : index
    %swap3A_439 = arith.constant 128 : index
    %swap3A_440 = vector.load %arg13[%swap3A_438, %swap3A_439] : memref<1024x256xbf16, #tpu.memory_space<vmem>>, vector<1024x64xbf16>
    tpu.vector_store %arg13[%swap3A_438, %swap3A_439], %get3A_437 {strides = array<i32>} : memref<1024x256xbf16, #tpu.memory_space<vmem>>, vector<1024x64xbf16>,
    %get3A_441 = arith.constant 0 : index
    %get3A_442 = arith.constant 0 : index
    %get3A_443 = vector.load %arg13[%get3A_441, %get3A_442] : memref<1024x256xbf16, #tpu.memory_space<vmem>>, vector<1024x256xbf16>
    %get3A_444 = arith.constant 0 : index
    %get3A_445 = arith.constant 0 : index
    %get3A_446 = vector.load %arg3[%get3A_444, %get3A_445] : memref<256x512xbf16, #tpu.memory_space<vmem>>, vector<256x512xbf16>
    %dot_general3A_447 = arith.constant dense<0.000000e+00> : vector<1024x512xf32>
    %dot_general3A_448 = tpu.matmul %get3A_443, %get3A_446, %dot_general3A_447 {dimension_numbers = #tpu.dot_dimension_numbers<[1], [0], [0], [1], [0, 0, 1, 1], [], []>, transpose_lhs_hint = false} : vector<1024x256xbf16>, vector<256x512xbf16>, vector<1024x512xf32> -> vector<1024x512xf32>
    %convert_element_type3A_449 = arith.truncf %dot_general3A_448 : vector<1024x512xf32> to vector<1024x512xbf16>
    %slice3A_450 = vector.extract_strided_slice %convert_element_type3A_449 {offsets = [0, 0], sizes = [1024, 128], strides = [1, 1]} : vector<1024x512xbf16> to vector<1024x128xbf16>
    %tanh3A_451 = math.tanh %slice3A_450 : vector<1024x128xbf16>
    %mul3A_452 = arith.constant 5.000000e-01 : bf16
    %mul3A_453 = vector.broadcast %mul3A_452 : bf16 to vector<1024x128xbf16>
    %mul3A_454 = arith.mulf %mul3A_453, %tanh3A_451 : vector<1024x128xbf16>
    %add3A_455 = arith.constant 5.000000e-01 : bf16
    %add3A_456 = vector.broadcast %add3A_455 : bf16 to vector<1024x128xbf16>
    %add3A_457 = arith.addf %mul3A_454, %add3A_456 : vector<1024x128xbf16>
    %slice3A_458 = vector.extract_strided_slice %convert_element_type3A_449 {offsets = [0, 128], sizes = [1024, 128], strides = [1, 1]} : vector<1024x512xbf16> to vector<1024x128xbf16>
    %tanh3A_459 = math.tanh %slice3A_458 : vector<1024x128xbf16>
    %mul3A_460 = arith.constant 5.000000e-01 : bf16
    %mul3A_461 = vector.broadcast %mul3A_460 : bf16 to vector<1024x128xbf16>
    %mul3A_462 = arith.mulf %mul3A_461, %tanh3A_459 : vector<1024x128xbf16>
    %add3A_463 = arith.constant 5.000000e-01 : bf16
    %add3A_464 = vector.broadcast %add3A_463 : bf16 to vector<1024x128xbf16>
    %add3A_465 = arith.addf %mul3A_462, %add3A_464 : vector<1024x128xbf16>
    %slice3A_466 = vector.extract_strided_slice %convert_element_type3A_449 {offsets = [0, 256], sizes = [1024, 128], strides = [1, 1]} : vector<1024x512xbf16> to vector<1024x128xbf16>
    %tanh3A_467 = math.tanh %slice3A_466 : vector<1024x128xbf16>
    %slice3A_468 = vector.extract_strided_slice %convert_element_type3A_449 {offsets = [0, 384], sizes = [1024, 128], strides = [1, 1]} : vector<1024x512xbf16> to vector<1024x128xbf16>
    %tanh3A_469 = math.tanh %slice3A_468 : vector<1024x128xbf16>
    %mul3A_470 = arith.constant 5.000000e-01 : bf16
    %mul3A_471 = vector.broadcast %mul3A_470 : bf16 to vector<1024x128xbf16>
    %mul3A_472 = arith.mulf %mul3A_471, %tanh3A_469 : vector<1024x128xbf16>
    %add3A_473 = arith.constant 5.000000e-01 : bf16
    %add3A_474 = vector.broadcast %add3A_473 : bf16 to vector<1024x128xbf16>
    %add3A_475 = arith.addf %mul3A_472, %add3A_474 : vector<1024x128xbf16>
    %get3A_476 = arith.constant 0 : index
    %get3A_477 = arith.constant 0 : index
    %get3A_478 = vector.load %arg15[%get3A_476, %get3A_477] : memref<1024x128xbf16, #tpu.memory_space<vmem>>, vector<1024x128xbf16>
    %mul3A_479 = arith.mulf %add3A_465, %get3A_478 : vector<1024x128xbf16>
    %mul3A_480 = arith.mulf %add3A_457, %tanh3A_467 : vector<1024x128xbf16>
    %add3A_481 = arith.addf %mul3A_479, %mul3A_480 : vector<1024x128xbf16>
    %tanh3A_482 = math.tanh %add3A_481 : vector<1024x128xbf16>
    %mul3A_483 = arith.mulf %add3A_475, %tanh3A_482 : vector<1024x128xbf16>
    %swap3A_484 = arith.constant 0 : index
    %swap3A_485 = arith.constant 0 : index
    %swap3A_486 = vector.load %arg15[%swap3A_484, %swap3A_485] : memref<1024x128xbf16, #tpu.memory_space<vmem>>, vector<1024x128xbf16>
    tpu.vector_store %arg15[%swap3A_484, %swap3A_485], %add3A_481 {strides = array<i32>} : memref<1024x128xbf16, #tpu.memory_space<vmem>>, vector<1024x128xbf16>,
    %swap3A_487 = arith.constant 0 : index
    %swap3A_488 = arith.constant 0 : index
    %swap3A_489 = vector.load %arg13[%swap3A_487, %swap3A_488] : memref<1024x256xbf16, #tpu.memory_space<vmem>>, vector<1024x128xbf16>
    tpu.vector_store %arg13[%swap3A_487, %swap3A_488], %mul3A_483 {strides = array<i32>} : memref<1024x256xbf16, #tpu.memory_space<vmem>>, vector<1024x128xbf16>,
    %get3A_490 = arith.constant 9216 : index
    %get3A_491 = arith.constant 0 : index
    %get3A_492 = vector.load %arg1[%get3A_490, %get3A_491] : memref<10240x64xbf16, #tpu.memory_space<vmem>>, vector<1024x64xbf16>
    %swap3A_493 = arith.constant 0 : index
    %swap3A_494 = arith.constant 128 : index
    %swap3A_495 = vector.load %arg13[%swap3A_493, %swap3A_494] : memref<1024x256xbf16, #tpu.memory_space<vmem>>, vector<1024x64xbf16>
    tpu.vector_store %arg13[%swap3A_493, %swap3A_494], %get3A_492 {strides = array<i32>} : memref<1024x256xbf16, #tpu.memory_space<vmem>>, vector<1024x64xbf16>,
    %get3A_496 = arith.constant 0 : index
    %get3A_497 = arith.constant 0 : index
    %get3A_498 = vector.load %arg13[%get3A_496, %get3A_497] : memref<1024x256xbf16, #tpu.memory_space<vmem>>, vector<1024x256xbf16>
    %get3A_499 = arith.constant 0 : index
    %get3A_500 = arith.constant 0 : index
    %get3A_501 = vector.load %arg3[%get3A_499, %get3A_500] : memref<256x512xbf16, #tpu.memory_space<vmem>>, vector<256x512xbf16>
    %dot_general3A_502 = arith.constant dense<0.000000e+00> : vector<1024x512xf32>
    %dot_general3A_503 = tpu.matmul %get3A_498, %get3A_501, %dot_general3A_502 {dimension_numbers = #tpu.dot_dimension_numbers<[1], [0], [0], [1], [0, 0, 1, 1], [], []>, transpose_lhs_hint = false} : vector<1024x256xbf16>, vector<256x512xbf16>, vector<1024x512xf32> -> vector<1024x512xf32>
    %convert_element_type3A_504 = arith.truncf %dot_general3A_503 : vector<1024x512xf32> to vector<1024x512xbf16>
    %slice3A_505 = vector.extract_strided_slice %convert_element_type3A_504 {offsets = [0, 0], sizes = [1024, 128], strides = [1, 1]} : vector<1024x512xbf16> to vector<1024x128xbf16>
    %tanh3A_506 = math.tanh %slice3A_505 : vector<1024x128xbf16>
    %mul3A_507 = arith.constant 5.000000e-01 : bf16
    %mul3A_508 = vector.broadcast %mul3A_507 : bf16 to vector<1024x128xbf16>
    %mul3A_509 = arith.mulf %mul3A_508, %tanh3A_506 : vector<1024x128xbf16>
    %add3A_510 = arith.constant 5.000000e-01 : bf16
    %add3A_511 = vector.broadcast %add3A_510 : bf16 to vector<1024x128xbf16>
    %add3A_512 = arith.addf %mul3A_509, %add3A_511 : vector<1024x128xbf16>
    %slice3A_513 = vector.extract_strided_slice %convert_element_type3A_504 {offsets = [0, 128], sizes = [1024, 128], strides = [1, 1]} : vector<1024x512xbf16> to vector<1024x128xbf16>
    %tanh3A_514 = math.tanh %slice3A_513 : vector<1024x128xbf16>
    %mul3A_515 = arith.constant 5.000000e-01 : bf16
    %mul3A_516 = vector.broadcast %mul3A_515 : bf16 to vector<1024x128xbf16>
    %mul3A_517 = arith.mulf %mul3A_516, %tanh3A_514 : vector<1024x128xbf16>
    %add3A_518 = arith.constant 5.000000e-01 : bf16
    %add3A_519 = vector.broadcast %add3A_518 : bf16 to vector<1024x128xbf16>
    %add3A_520 = arith.addf %mul3A_517, %add3A_519 : vector<1024x128xbf16>
    %slice3A_521 = vector.extract_strided_slice %convert_element_type3A_504 {offsets = [0, 256], sizes = [1024, 128], strides = [1, 1]} : vector<1024x512xbf16> to vector<1024x128xbf16>
    %tanh3A_522 = math.tanh %slice3A_521 : vector<1024x128xbf16>
    %slice3A_523 = vector.extract_strided_slice %convert_element_type3A_504 {offsets = [0, 384], sizes = [1024, 128], strides = [1, 1]} : vector<1024x512xbf16> to vector<1024x128xbf16>
    %tanh3A_524 = math.tanh %slice3A_523 : vector<1024x128xbf16>
    %mul3A_525 = arith.constant 5.000000e-01 : bf16
    %mul3A_526 = vector.broadcast %mul3A_525 : bf16 to vector<1024x128xbf16>
    %mul3A_527 = arith.mulf %mul3A_526, %tanh3A_524 : vector<1024x128xbf16>
    %add3A_528 = arith.constant 5.000000e-01 : bf16
    %add3A_529 = vector.broadcast %add3A_528 : bf16 to vector<1024x128xbf16>
    %add3A_530 = arith.addf %mul3A_527, %add3A_529 : vector<1024x128xbf16>
    %get3A_531 = arith.constant 0 : index
    %get3A_532 = arith.constant 0 : index
    %get3A_533 = vector.load %arg15[%get3A_531, %get3A_532] : memref<1024x128xbf16, #tpu.memory_space<vmem>>, vector<1024x128xbf16>
    %mul3A_534 = arith.mulf %add3A_520, %get3A_533 : vector<1024x128xbf16>
    %mul3A_535 = arith.mulf %add3A_512, %tanh3A_522 : vector<1024x128xbf16>
    %add3A_536 = arith.addf %mul3A_534, %mul3A_535 : vector<1024x128xbf16>
    %tanh3A_537 = math.tanh %add3A_536 : vector<1024x128xbf16>
    %mul3A_538 = arith.mulf %add3A_530, %tanh3A_537 : vector<1024x128xbf16>
    %swap3A_539 = arith.constant 0 : index
    %swap3A_540 = arith.constant 0 : index
    %swap3A_541 = vector.load %arg15[%swap3A_539, %swap3A_540] : memref<1024x128xbf16, #tpu.memory_space<vmem>>, vector<1024x128xbf16>
    tpu.vector_store %arg15[%swap3A_539, %swap3A_540], %add3A_536 {strides = array<i32>} : memref<1024x128xbf16, #tpu.memory_space<vmem>>, vector<1024x128xbf16>,
    %swap3A_542 = arith.constant 0 : index
    %swap3A_543 = arith.constant 0 : index
    %swap3A_544 = vector.load %arg13[%swap3A_542, %swap3A_543] : memref<1024x256xbf16, #tpu.memory_space<vmem>>, vector<1024x128xbf16>
    tpu.vector_store %arg13[%swap3A_542, %swap3A_543], %mul3A_538 {strides = array<i32>} : memref<1024x256xbf16, #tpu.memory_space<vmem>>, vector<1024x128xbf16>,
    %get3A_545 = arith.constant 9216 : index
    %get3A_546 = arith.constant 0 : index
    %get3A_547 = vector.load %arg2[%get3A_545, %get3A_546] : memref<10240x64xbf16, #tpu.memory_space<vmem>>, vector<1024x64xbf16>
    %swap3A_548 = arith.constant 0 : index
    %swap3A_549 = arith.constant 128 : index
    %swap3A_550 = vector.load %arg14[%swap3A_548, %swap3A_549] : memref<1024x256xbf16, #tpu.memory_space<vmem>>, vector<1024x64xbf16>
    tpu.vector_store %arg14[%swap3A_548, %swap3A_549], %get3A_547 {strides = array<i32>} : memref<1024x256xbf16, #tpu.memory_space<vmem>>, vector<1024x64xbf16>,
    %get3A_551 = arith.constant 0 : index
    %get3A_552 = arith.constant 0 : index
    %get3A_553 = vector.load %arg14[%get3A_551, %get3A_552] : memref<1024x256xbf16, #tpu.memory_space<vmem>>, vector<1024x256xbf16>
    %get3A_554 = arith.constant 0 : index
    %get3A_555 = arith.constant 0 : index
    %get3A_556 = vector.load %arg4[%get3A_554, %get3A_555] : memref<256x512xbf16, #tpu.memory_space<vmem>>, vector<256x512xbf16>
    %dot_general3A_557 = arith.constant dense<0.000000e+00> : vector<1024x512xf32>
    %dot_general3A_558 = tpu.matmul %get3A_553, %get3A_556, %dot_general3A_557 {dimension_numbers = #tpu.dot_dimension_numbers<[1], [0], [0], [1], [0, 0, 1, 1], [], []>, transpose_lhs_hint = false} : vector<1024x256xbf16>, vector<256x512xbf16>, vector<1024x512xf32> -> vector<1024x512xf32>
    %convert_element_type3A_559 = arith.truncf %dot_general3A_558 : vector<1024x512xf32> to vector<1024x512xbf16>
    %slice3A_560 = vector.extract_strided_slice %convert_element_type3A_559 {offsets = [0, 0], sizes = [1024, 128], strides = [1, 1]} : vector<1024x512xbf16> to vector<1024x128xbf16>
    %tanh3A_561 = math.tanh %slice3A_560 : vector<1024x128xbf16>
    %mul3A_562 = arith.constant 5.000000e-01 : bf16
    %mul3A_563 = vector.broadcast %mul3A_562 : bf16 to vector<1024x128xbf16>
    %mul3A_564 = arith.mulf %mul3A_563, %tanh3A_561 : vector<1024x128xbf16>
    %add3A_565 = arith.constant 5.000000e-01 : bf16
    %add3A_566 = vector.broadcast %add3A_565 : bf16 to vector<1024x128xbf16>
    %add3A_567 = arith.addf %mul3A_564, %add3A_566 : vector<1024x128xbf16>
    %slice3A_568 = vector.extract_strided_slice %convert_element_type3A_559 {offsets = [0, 128], sizes = [1024, 128], strides = [1, 1]} : vector<1024x512xbf16> to vector<1024x128xbf16>
    %tanh3A_569 = math.tanh %slice3A_568 : vector<1024x128xbf16>
    %mul3A_570 = arith.constant 5.000000e-01 : bf16
    %mul3A_571 = vector.broadcast %mul3A_570 : bf16 to vector<1024x128xbf16>
    %mul3A_572 = arith.mulf %mul3A_571, %tanh3A_569 : vector<1024x128xbf16>
    %add3A_573 = arith.constant 5.000000e-01 : bf16
    %add3A_574 = vector.broadcast %add3A_573 : bf16 to vector<1024x128xbf16>
    %add3A_575 = arith.addf %mul3A_572, %add3A_574 : vector<1024x128xbf16>
    %slice3A_576 = vector.extract_strided_slice %convert_element_type3A_559 {offsets = [0, 256], sizes = [1024, 128], strides = [1, 1]} : vector<1024x512xbf16> to vector<1024x128xbf16>
    %tanh3A_577 = math.tanh %slice3A_576 : vector<1024x128xbf16>
    %slice3A_578 = vector.extract_strided_slice %convert_element_type3A_559 {offsets = [0, 384], sizes = [1024, 128], strides = [1, 1]} : vector<1024x512xbf16> to vector<1024x128xbf16>
    %tanh3A_579 = math.tanh %slice3A_578 : vector<1024x128xbf16>
    %mul3A_580 = arith.constant 5.000000e-01 : bf16
    %mul3A_581 = vector.broadcast %mul3A_580 : bf16 to vector<1024x128xbf16>
    %mul3A_582 = arith.mulf %mul3A_581, %tanh3A_579 : vector<1024x128xbf16>
    %add3A_583 = arith.constant 5.000000e-01 : bf16
    %add3A_584 = vector.broadcast %add3A_583 : bf16 to vector<1024x128xbf16>
    %add3A_585 = arith.addf %mul3A_582, %add3A_584 : vector<1024x128xbf16>
    %get3A_586 = arith.constant 0 : index
    %get3A_587 = arith.constant 0 : index
    %get3A_588 = vector.load %arg16[%get3A_586, %get3A_587] : memref<1024x128xbf16, #tpu.memory_space<vmem>>, vector<1024x128xbf16>
    %mul3A_589 = arith.mulf %add3A_575, %get3A_588 : vector<1024x128xbf16>
    %mul3A_590 = arith.mulf %add3A_567, %tanh3A_577 : vector<1024x128xbf16>
    %add3A_591 = arith.addf %mul3A_589, %mul3A_590 : vector<1024x128xbf16>
    %tanh3A_592 = math.tanh %add3A_591 : vector<1024x128xbf16>
    %mul3A_593 = arith.mulf %add3A_585, %tanh3A_592 : vector<1024x128xbf16>
    %swap3A_594 = arith.constant 0 : index
    %swap3A_595 = arith.constant 0 : index
    %swap3A_596 = vector.load %arg16[%swap3A_594, %swap3A_595] : memref<1024x128xbf16, #tpu.memory_space<vmem>>, vector<1024x128xbf16>
    tpu.vector_store %arg16[%swap3A_594, %swap3A_595], %add3A_591 {strides = array<i32>} : memref<1024x128xbf16, #tpu.memory_space<vmem>>, vector<1024x128xbf16>,
    %swap3A_597 = arith.constant 0 : index
    %swap3A_598 = arith.constant 0 : index
    %swap3A_599 = vector.load %arg14[%swap3A_597, %swap3A_598] : memref<1024x256xbf16, #tpu.memory_space<vmem>>, vector<1024x128xbf16>
    tpu.vector_store %arg14[%swap3A_597, %swap3A_598], %mul3A_593 {strides = array<i32>} : memref<1024x256xbf16, #tpu.memory_space<vmem>>, vector<1024x128xbf16>,
    %get3A_600 = arith.constant 8192 : index
    %get3A_601 = arith.constant 0 : index
    %get3A_602 = vector.load %arg2[%get3A_600, %get3A_601] : memref<10240x64xbf16, #tpu.memory_space<vmem>>, vector<1024x64xbf16>
    %swap3A_603 = arith.constant 0 : index
    %swap3A_604 = arith.constant 128 : index
    %swap3A_605 = vector.load %arg14[%swap3A_603, %swap3A_604] : memref<1024x256xbf16, #tpu.memory_space<vmem>>, vector<1024x64xbf16>
    tpu.vector_store %arg14[%swap3A_603, %swap3A_604], %get3A_602 {strides = array<i32>} : memref<1024x256xbf16, #tpu.memory_space<vmem>>, vector<1024x64xbf16>,
    %get3A_606 = arith.constant 0 : index
    %get3A_607 = arith.constant 0 : index
    %get3A_608 = vector.load %arg14[%get3A_606, %get3A_607] : memref<1024x256xbf16, #tpu.memory_space<vmem>>, vector<1024x256xbf16>
    %get3A_609 = arith.constant 0 : index
    %get3A_610 = arith.constant 0 : index
    %get3A_611 = vector.load %arg4[%get3A_609, %get3A_610] : memref<256x512xbf16, #tpu.memory_space<vmem>>, vector<256x512xbf16>
    %dot_general3A_612 = arith.constant dense<0.000000e+00> : vector<1024x512xf32>
    %dot_general3A_613 = tpu.matmul %get3A_608, %get3A_611, %dot_general3A_612 {dimension_numbers = #tpu.dot_dimension_numbers<[1], [0], [0], [1], [0, 0, 1, 1], [], []>, transpose_lhs_hint = false} : vector<1024x256xbf16>, vector<256x512xbf16>, vector<1024x512xf32> -> vector<1024x512xf32>
    %convert_element_type3A_614 = arith.truncf %dot_general3A_613 : vector<1024x512xf32> to vector<1024x512xbf16>
    %slice3A_615 = vector.extract_strided_slice %convert_element_type3A_614 {offsets = [0, 0], sizes = [1024, 128], strides = [1, 1]} : vector<1024x512xbf16> to vector<1024x128xbf16>
    %tanh3A_616 = math.tanh %slice3A_615 : vector<1024x128xbf16>
    %mul3A_617 = arith.constant 5.000000e-01 : bf16
    %mul3A_618 = vector.broadcast %mul3A_617 : bf16 to vector<1024x128xbf16>
    %mul3A_619 = arith.mulf %mul3A_618, %tanh3A_616 : vector<1024x128xbf16>
    %add3A_620 = arith.constant 5.000000e-01 : bf16
    %add3A_621 = vector.broadcast %add3A_620 : bf16 to vector<1024x128xbf16>
    %add3A_622 = arith.addf %mul3A_619, %add3A_621 : vector<1024x128xbf16>
    %slice3A_623 = vector.extract_strided_slice %convert_element_type3A_614 {offsets = [0, 128], sizes = [1024, 128], strides = [1, 1]} : vector<1024x512xbf16> to vector<1024x128xbf16>
    %tanh3A_624 = math.tanh %slice3A_623 : vector<1024x128xbf16>
    %mul3A_625 = arith.constant 5.000000e-01 : bf16
    %mul3A_626 = vector.broadcast %mul3A_625 : bf16 to vector<1024x128xbf16>
    %mul3A_627 = arith.mulf %mul3A_626, %tanh3A_624 : vector<1024x128xbf16>
    %add3A_628 = arith.constant 5.000000e-01 : bf16
    %add3A_629 = vector.broadcast %add3A_628 : bf16 to vector<1024x128xbf16>
    %add3A_630 = arith.addf %mul3A_627, %add3A_629 : vector<1024x128xbf16>
    %slice3A_631 = vector.extract_strided_slice %convert_element_type3A_614 {offsets = [0, 256], sizes = [1024, 128], strides = [1, 1]} : vector<1024x512xbf16> to vector<1024x128xbf16>
    %tanh3A_632 = math.tanh %slice3A_631 : vector<1024x128xbf16>
    %slice3A_633 = vector.extract_strided_slice %convert_element_type3A_614 {offsets = [0, 384], sizes = [1024, 128], strides = [1, 1]} : vector<1024x512xbf16> to vector<1024x128xbf16>
    %tanh3A_634 = math.tanh %slice3A_633 : vector<1024x128xbf16>
    %mul3A_635 = arith.constant 5.000000e-01 : bf16
    %mul3A_636 = vector.broadcast %mul3A_635 : bf16 to vector<1024x128xbf16>
    %mul3A_637 = arith.mulf %mul3A_636, %tanh3A_634 : vector<1024x128xbf16>
    %add3A_638 = arith.constant 5.000000e-01 : bf16
    %add3A_639 = vector.broadcast %add3A_638 : bf16 to vector<1024x128xbf16>
    %add3A_640 = arith.addf %mul3A_637, %add3A_639 : vector<1024x128xbf16>
    %get3A_641 = arith.constant 0 : index
    %get3A_642 = arith.constant 0 : index
    %get3A_643 = vector.load %arg16[%get3A_641, %get3A_642] : memref<1024x128xbf16, #tpu.memory_space<vmem>>, vector<1024x128xbf16>
    %mul3A_644 = arith.mulf %add3A_630, %get3A_643 : vector<1024x128xbf16>
    %mul3A_645 = arith.mulf %add3A_622, %tanh3A_632 : vector<1024x128xbf16>
    %add3A_646 = arith.addf %mul3A_644, %mul3A_645 : vector<1024x128xbf16>
    %tanh3A_647 = math.tanh %add3A_646 : vector<1024x128xbf16>
    %mul3A_648 = arith.mulf %add3A_640, %tanh3A_647 : vector<1024x128xbf16>
    %swap3A_649 = arith.constant 0 : index
    %swap3A_650 = arith.constant 0 : index
    %swap3A_651 = vector.load %arg16[%swap3A_649, %swap3A_650] : memref<1024x128xbf16, #tpu.memory_space<vmem>>, vector<1024x128xbf16>
    tpu.vector_store %arg16[%swap3A_649, %swap3A_650], %add3A_646 {strides = array<i32>} : memref<1024x128xbf16, #tpu.memory_space<vmem>>, vector<1024x128xbf16>,
    %swap3A_652 = arith.constant 0 : index
    %swap3A_653 = arith.constant 0 : index
    %swap3A_654 = vector.load %arg14[%swap3A_652, %swap3A_653] : memref<1024x256xbf16, #tpu.memory_space<vmem>>, vector<1024x128xbf16>
    tpu.vector_store %arg14[%swap3A_652, %swap3A_653], %mul3A_648 {strides = array<i32>} : memref<1024x256xbf16, #tpu.memory_space<vmem>>, vector<1024x128xbf16>,
    %get3A_655 = arith.constant 7168 : index
    %get3A_656 = arith.constant 0 : index
    %get3A_657 = vector.load %arg2[%get3A_655, %get3A_656] : memref<10240x64xbf16, #tpu.memory_space<vmem>>, vector<1024x64xbf16>
    %swap3A_658 = arith.constant 0 : index
    %swap3A_659 = arith.constant 128 : index
    %swap3A_660 = vector.load %arg14[%swap3A_658, %swap3A_659] : memref<1024x256xbf16, #tpu.memory_space<vmem>>, vector<1024x64xbf16>
    tpu.vector_store %arg14[%swap3A_658, %swap3A_659], %get3A_657 {strides = array<i32>} : memref<1024x256xbf16, #tpu.memory_space<vmem>>, vector<1024x64xbf16>,
    %get3A_661 = arith.constant 0 : index
    %get3A_662 = arith.constant 0 : index
    %get3A_663 = vector.load %arg14[%get3A_661, %get3A_662] : memref<1024x256xbf16, #tpu.memory_space<vmem>>, vector<1024x256xbf16>
    %get3A_664 = arith.constant 0 : index
    %get3A_665 = arith.constant 0 : index
    %get3A_666 = vector.load %arg4[%get3A_664, %get3A_665] : memref<256x512xbf16, #tpu.memory_space<vmem>>, vector<256x512xbf16>
    %dot_general3A_667 = arith.constant dense<0.000000e+00> : vector<1024x512xf32>
    %dot_general3A_668 = tpu.matmul %get3A_663, %get3A_666, %dot_general3A_667 {dimension_numbers = #tpu.dot_dimension_numbers<[1], [0], [0], [1], [0, 0, 1, 1], [], []>, transpose_lhs_hint = false} : vector<1024x256xbf16>, vector<256x512xbf16>, vector<1024x512xf32> -> vector<1024x512xf32>
    %convert_element_type3A_669 = arith.truncf %dot_general3A_668 : vector<1024x512xf32> to vector<1024x512xbf16>
    %slice3A_670 = vector.extract_strided_slice %convert_element_type3A_669 {offsets = [0, 0], sizes = [1024, 128], strides = [1, 1]} : vector<1024x512xbf16> to vector<1024x128xbf16>
    %tanh3A_671 = math.tanh %slice3A_670 : vector<1024x128xbf16>
    %mul3A_672 = arith.constant 5.000000e-01 : bf16
    %mul3A_673 = vector.broadcast %mul3A_672 : bf16 to vector<1024x128xbf16>
    %mul3A_674 = arith.mulf %mul3A_673, %tanh3A_671 : vector<1024x128xbf16>
    %add3A_675 = arith.constant 5.000000e-01 : bf16
    %add3A_676 = vector.broadcast %add3A_675 : bf16 to vector<1024x128xbf16>
    %add3A_677 = arith.addf %mul3A_674, %add3A_676 : vector<1024x128xbf16>
    %slice3A_678 = vector.extract_strided_slice %convert_element_type3A_669 {offsets = [0, 128], sizes = [1024, 128], strides = [1, 1]} : vector<1024x512xbf16> to vector<1024x128xbf16>
    %tanh3A_679 = math.tanh %slice3A_678 : vector<1024x128xbf16>
    %mul3A_680 = arith.constant 5.000000e-01 : bf16
    %mul3A_681 = vector.broadcast %mul3A_680 : bf16 to vector<1024x128xbf16>
    %mul3A_682 = arith.mulf %mul3A_681, %tanh3A_679 : vector<1024x128xbf16>
    %add3A_683 = arith.constant 5.000000e-01 : bf16
    %add3A_684 = vector.broadcast %add3A_683 : bf16 to vector<1024x128xbf16>
    %add3A_685 = arith.addf %mul3A_682, %add3A_684 : vector<1024x128xbf16>
    %slice3A_686 = vector.extract_strided_slice %convert_element_type3A_669 {offsets = [0, 256], sizes = [1024, 128], strides = [1, 1]} : vector<1024x512xbf16> to vector<1024x128xbf16>
    %tanh3A_687 = math.tanh %slice3A_686 : vector<1024x128xbf16>
    %slice3A_688 = vector.extract_strided_slice %convert_element_type3A_669 {offsets = [0, 384], sizes = [1024, 128], strides = [1, 1]} : vector<1024x512xbf16> to vector<1024x128xbf16>
    %tanh3A_689 = math.tanh %slice3A_688 : vector<1024x128xbf16>
    %mul3A_690 = arith.constant 5.000000e-01 : bf16
    %mul3A_691 = vector.broadcast %mul3A_690 : bf16 to vector<1024x128xbf16>
    %mul3A_692 = arith.mulf %mul3A_691, %tanh3A_689 : vector<1024x128xbf16>
    %add3A_693 = arith.constant 5.000000e-01 : bf16
    %add3A_694 = vector.broadcast %add3A_693 : bf16 to vector<1024x128xbf16>
    %add3A_695 = arith.addf %mul3A_692, %add3A_694 : vector<1024x128xbf16>
    %get3A_696 = arith.constant 0 : index
    %get3A_697 = arith.constant 0 : index
    %get3A_698 = vector.load %arg16[%get3A_696, %get3A_697] : memref<1024x128xbf16, #tpu.memory_space<vmem>>, vector<1024x128xbf16>
    %mul3A_699 = arith.mulf %add3A_685, %get3A_698 : vector<1024x128xbf16>
    %mul3A_700 = arith.mulf %add3A_677, %tanh3A_687 : vector<1024x128xbf16>
    %add3A_701 = arith.addf %mul3A_699, %mul3A_700 : vector<1024x128xbf16>
    %tanh3A_702 = math.tanh %add3A_701 : vector<1024x128xbf16>
    %mul3A_703 = arith.mulf %add3A_695, %tanh3A_702 : vector<1024x128xbf16>
    %swap3A_704 = arith.constant 0 : index
    %swap3A_705 = arith.constant 0 : index
    %swap3A_706 = vector.load %arg16[%swap3A_704, %swap3A_705] : memref<1024x128xbf16, #tpu.memory_space<vmem>>, vector<1024x128xbf16>
    tpu.vector_store %arg16[%swap3A_704, %swap3A_705], %add3A_701 {strides = array<i32>} : memref<1024x128xbf16, #tpu.memory_space<vmem>>, vector<1024x128xbf16>,
    %swap3A_707 = arith.constant 0 : index
    %swap3A_708 = arith.constant 0 : index
    %swap3A_709 = vector.load %arg14[%swap3A_707, %swap3A_708] : memref<1024x256xbf16, #tpu.memory_space<vmem>>, vector<1024x128xbf16>
    tpu.vector_store %arg14[%swap3A_707, %swap3A_708], %mul3A_703 {strides = array<i32>} : memref<1024x256xbf16, #tpu.memory_space<vmem>>, vector<1024x128xbf16>,
    %get3A_710 = arith.constant 6144 : index
    %get3A_711 = arith.constant 0 : index
    %get3A_712 = vector.load %arg2[%get3A_710, %get3A_711] : memref<10240x64xbf16, #tpu.memory_space<vmem>>, vector<1024x64xbf16>
    %swap3A_713 = arith.constant 0 : index
    %swap3A_714 = arith.constant 128 : index
    %swap3A_715 = vector.load %arg14[%swap3A_713, %swap3A_714] : memref<1024x256xbf16, #tpu.memory_space<vmem>>, vector<1024x64xbf16>
    tpu.vector_store %arg14[%swap3A_713, %swap3A_714], %get3A_712 {strides = array<i32>} : memref<1024x256xbf16, #tpu.memory_space<vmem>>, vector<1024x64xbf16>,
    %get3A_716 = arith.constant 0 : index
    %get3A_717 = arith.constant 0 : index
    %get3A_718 = vector.load %arg14[%get3A_716, %get3A_717] : memref<1024x256xbf16, #tpu.memory_space<vmem>>, vector<1024x256xbf16>
    %get3A_719 = arith.constant 0 : index
    %get3A_720 = arith.constant 0 : index
    %get3A_721 = vector.load %arg4[%get3A_719, %get3A_720] : memref<256x512xbf16, #tpu.memory_space<vmem>>, vector<256x512xbf16>
    %dot_general3A_722 = arith.constant dense<0.000000e+00> : vector<1024x512xf32>
    %dot_general3A_723 = tpu.matmul %get3A_718, %get3A_721, %dot_general3A_722 {dimension_numbers = #tpu.dot_dimension_numbers<[1], [0], [0], [1], [0, 0, 1, 1], [], []>, transpose_lhs_hint = false} : vector<1024x256xbf16>, vector<256x512xbf16>, vector<1024x512xf32> -> vector<1024x512xf32>
    %convert_element_type3A_724 = arith.truncf %dot_general3A_723 : vector<1024x512xf32> to vector<1024x512xbf16>
    %slice3A_725 = vector.extract_strided_slice %convert_element_type3A_724 {offsets = [0, 0], sizes = [1024, 128], strides = [1, 1]} : vector<1024x512xbf16> to vector<1024x128xbf16>
    %tanh3A_726 = math.tanh %slice3A_725 : vector<1024x128xbf16>
    %mul3A_727 = arith.constant 5.000000e-01 : bf16
    %mul3A_728 = vector.broadcast %mul3A_727 : bf16 to vector<1024x128xbf16>
    %mul3A_729 = arith.mulf %mul3A_728, %tanh3A_726 : vector<1024x128xbf16>
    %add3A_730 = arith.constant 5.000000e-01 : bf16
    %add3A_731 = vector.broadcast %add3A_730 : bf16 to vector<1024x128xbf16>
    %add3A_732 = arith.addf %mul3A_729, %add3A_731 : vector<1024x128xbf16>
    %slice3A_733 = vector.extract_strided_slice %convert_element_type3A_724 {offsets = [0, 128], sizes = [1024, 128], strides = [1, 1]} : vector<1024x512xbf16> to vector<1024x128xbf16>
    %tanh3A_734 = math.tanh %slice3A_733 : vector<1024x128xbf16>
    %mul3A_735 = arith.constant 5.000000e-01 : bf16
    %mul3A_736 = vector.broadcast %mul3A_735 : bf16 to vector<1024x128xbf16>
    %mul3A_737 = arith.mulf %mul3A_736, %tanh3A_734 : vector<1024x128xbf16>
    %add3A_738 = arith.constant 5.000000e-01 : bf16
    %add3A_739 = vector.broadcast %add3A_738 : bf16 to vector<1024x128xbf16>
    %add3A_740 = arith.addf %mul3A_737, %add3A_739 : vector<1024x128xbf16>
    %slice3A_741 = vector.extract_strided_slice %convert_element_type3A_724 {offsets = [0, 256], sizes = [1024, 128], strides = [1, 1]} : vector<1024x512xbf16> to vector<1024x128xbf16>
    %tanh3A_742 = math.tanh %slice3A_741 : vector<1024x128xbf16>
    %slice3A_743 = vector.extract_strided_slice %convert_element_type3A_724 {offsets = [0, 384], sizes = [1024, 128], strides = [1, 1]} : vector<1024x512xbf16> to vector<1024x128xbf16>
    %tanh3A_744 = math.tanh %slice3A_743 : vector<1024x128xbf16>
    %mul3A_745 = arith.constant 5.000000e-01 : bf16
    %mul3A_746 = vector.broadcast %mul3A_745 : bf16 to vector<1024x128xbf16>
    %mul3A_747 = arith.mulf %mul3A_746, %tanh3A_744 : vector<1024x128xbf16>
    %add3A_748 = arith.constant 5.000000e-01 : bf16
    %add3A_749 = vector.broadcast %add3A_748 : bf16 to vector<1024x128xbf16>
    %add3A_750 = arith.addf %mul3A_747, %add3A_749 : vector<1024x128xbf16>
    %get3A_751 = arith.constant 0 : index
    %get3A_752 = arith.constant 0 : index
    %get3A_753 = vector.load %arg16[%get3A_751, %get3A_752] : memref<1024x128xbf16, #tpu.memory_space<vmem>>, vector<1024x128xbf16>
    %mul3A_754 = arith.mulf %add3A_740, %get3A_753 : vector<1024x128xbf16>
    %mul3A_755 = arith.mulf %add3A_732, %tanh3A_742 : vector<1024x128xbf16>
    %add3A_756 = arith.addf %mul3A_754, %mul3A_755 : vector<1024x128xbf16>
    %tanh3A_757 = math.tanh %add3A_756 : vector<1024x128xbf16>
    %mul3A_758 = arith.mulf %add3A_750, %tanh3A_757 : vector<1024x128xbf16>
    %swap3A_759 = arith.constant 0 : index
    %swap3A_760 = arith.constant 0 : index
    %swap3A_761 = vector.load %arg16[%swap3A_759, %swap3A_760] : memref<1024x128xbf16, #tpu.memory_space<vmem>>, vector<1024x128xbf16>
    tpu.vector_store %arg16[%swap3A_759, %swap3A_760], %add3A_756 {strides = array<i32>} : memref<1024x128xbf16, #tpu.memory_space<vmem>>, vector<1024x128xbf16>,
    %swap3A_762 = arith.constant 0 : index
    %swap3A_763 = arith.constant 0 : index
    %swap3A_764 = vector.load %arg14[%swap3A_762, %swap3A_763] : memref<1024x256xbf16, #tpu.memory_space<vmem>>, vector<1024x128xbf16>
    tpu.vector_store %arg14[%swap3A_762, %swap3A_763], %mul3A_758 {strides = array<i32>} : memref<1024x256xbf16, #tpu.memory_space<vmem>>, vector<1024x128xbf16>,
    %get3A_765 = arith.constant 5120 : index
    %get3A_766 = arith.constant 0 : index
    %get3A_767 = vector.load %arg2[%get3A_765, %get3A_766] : memref<10240x64xbf16, #tpu.memory_space<vmem>>, vector<1024x64xbf16>
    %swap3A_768 = arith.constant 0 : index
    %swap3A_769 = arith.constant 128 : index
    %swap3A_770 = vector.load %arg14[%swap3A_768, %swap3A_769] : memref<1024x256xbf16, #tpu.memory_space<vmem>>, vector<1024x64xbf16>
    tpu.vector_store %arg14[%swap3A_768, %swap3A_769], %get3A_767 {strides = array<i32>} : memref<1024x256xbf16, #tpu.memory_space<vmem>>, vector<1024x64xbf16>,
    %get3A_771 = arith.constant 0 : index
    %get3A_772 = arith.constant 0 : index
    %get3A_773 = vector.load %arg14[%get3A_771, %get3A_772] : memref<1024x256xbf16, #tpu.memory_space<vmem>>, vector<1024x256xbf16>
    %get3A_774 = arith.constant 0 : index
    %get3A_775 = arith.constant 0 : index
    %get3A_776 = vector.load %arg4[%get3A_774, %get3A_775] : memref<256x512xbf16, #tpu.memory_space<vmem>>, vector<256x512xbf16>
    %dot_general3A_777 = arith.constant dense<0.000000e+00> : vector<1024x512xf32>
    %dot_general3A_778 = tpu.matmul %get3A_773, %get3A_776, %dot_general3A_777 {dimension_numbers = #tpu.dot_dimension_numbers<[1], [0], [0], [1], [0, 0, 1, 1], [], []>, transpose_lhs_hint = false} : vector<1024x256xbf16>, vector<256x512xbf16>, vector<1024x512xf32> -> vector<1024x512xf32>
    %convert_element_type3A_779 = arith.truncf %dot_general3A_778 : vector<1024x512xf32> to vector<1024x512xbf16>
    %slice3A_780 = vector.extract_strided_slice %convert_element_type3A_779 {offsets = [0, 0], sizes = [1024, 128], strides = [1, 1]} : vector<1024x512xbf16> to vector<1024x128xbf16>
    %tanh3A_781 = math.tanh %slice3A_780 : vector<1024x128xbf16>
    %mul3A_782 = arith.constant 5.000000e-01 : bf16
    %mul3A_783 = vector.broadcast %mul3A_782 : bf16 to vector<1024x128xbf16>
    %mul3A_784 = arith.mulf %mul3A_783, %tanh3A_781 : vector<1024x128xbf16>
    %add3A_785 = arith.constant 5.000000e-01 : bf16
    %add3A_786 = vector.broadcast %add3A_785 : bf16 to vector<1024x128xbf16>
    %add3A_787 = arith.addf %mul3A_784, %add3A_786 : vector<1024x128xbf16>
    %slice3A_788 = vector.extract_strided_slice %convert_element_type3A_779 {offsets = [0, 128], sizes = [1024, 128], strides = [1, 1]} : vector<1024x512xbf16> to vector<1024x128xbf16>
    %tanh3A_789 = math.tanh %slice3A_788 : vector<1024x128xbf16>
    %mul3A_790 = arith.constant 5.000000e-01 : bf16
    %mul3A_791 = vector.broadcast %mul3A_790 : bf16 to vector<1024x128xbf16>
    %mul3A_792 = arith.mulf %mul3A_791, %tanh3A_789 : vector<1024x128xbf16>
    %add3A_793 = arith.constant 5.000000e-01 : bf16
    %add3A_794 = vector.broadcast %add3A_793 : bf16 to vector<1024x128xbf16>
    %add3A_795 = arith.addf %mul3A_792, %add3A_794 : vector<1024x128xbf16>
    %slice3A_796 = vector.extract_strided_slice %convert_element_type3A_779 {offsets = [0, 256], sizes = [1024, 128], strides = [1, 1]} : vector<1024x512xbf16> to vector<1024x128xbf16>
    %tanh3A_797 = math.tanh %slice3A_796 : vector<1024x128xbf16>
    %slice3A_798 = vector.extract_strided_slice %convert_element_type3A_779 {offsets = [0, 384], sizes = [1024, 128], strides = [1, 1]} : vector<1024x512xbf16> to vector<1024x128xbf16>
    %tanh3A_799 = math.tanh %slice3A_798 : vector<1024x128xbf16>
    %mul3A_800 = arith.constant 5.000000e-01 : bf16
    %mul3A_801 = vector.broadcast %mul3A_800 : bf16 to vector<1024x128xbf16>
    %mul3A_802 = arith.mulf %mul3A_801, %tanh3A_799 : vector<1024x128xbf16>
    %add3A_803 = arith.constant 5.000000e-01 : bf16
    %add3A_804 = vector.broadcast %add3A_803 : bf16 to vector<1024x128xbf16>
    %add3A_805 = arith.addf %mul3A_802, %add3A_804 : vector<1024x128xbf16>
    %get3A_806 = arith.constant 0 : index
    %get3A_807 = arith.constant 0 : index
    %get3A_808 = vector.load %arg16[%get3A_806, %get3A_807] : memref<1024x128xbf16, #tpu.memory_space<vmem>>, vector<1024x128xbf16>
    %mul3A_809 = arith.mulf %add3A_795, %get3A_808 : vector<1024x128xbf16>
    %mul3A_810 = arith.mulf %add3A_787, %tanh3A_797 : vector<1024x128xbf16>
    %add3A_811 = arith.addf %mul3A_809, %mul3A_810 : vector<1024x128xbf16>
    %tanh3A_812 = math.tanh %add3A_811 : vector<1024x128xbf16>
    %mul3A_813 = arith.mulf %add3A_805, %tanh3A_812 : vector<1024x128xbf16>
    %swap3A_814 = arith.constant 0 : index
    %swap3A_815 = arith.constant 0 : index
    %swap3A_816 = vector.load %arg16[%swap3A_814, %swap3A_815] : memref<1024x128xbf16, #tpu.memory_space<vmem>>, vector<1024x128xbf16>
    tpu.vector_store %arg16[%swap3A_814, %swap3A_815], %add3A_811 {strides = array<i32>} : memref<1024x128xbf16, #tpu.memory_space<vmem>>, vector<1024x128xbf16>,
    %swap3A_817 = arith.constant 0 : index
    %swap3A_818 = arith.constant 0 : index
    %swap3A_819 = vector.load %arg14[%swap3A_817, %swap3A_818] : memref<1024x256xbf16, #tpu.memory_space<vmem>>, vector<1024x128xbf16>
    tpu.vector_store %arg14[%swap3A_817, %swap3A_818], %mul3A_813 {strides = array<i32>} : memref<1024x256xbf16, #tpu.memory_space<vmem>>, vector<1024x128xbf16>,
    %get3A_820 = arith.constant 4096 : index
    %get3A_821 = arith.constant 0 : index
    %get3A_822 = vector.load %arg2[%get3A_820, %get3A_821] : memref<10240x64xbf16, #tpu.memory_space<vmem>>, vector<1024x64xbf16>
    %swap3A_823 = arith.constant 0 : index
    %swap3A_824 = arith.constant 128 : index
    %swap3A_825 = vector.load %arg14[%swap3A_823, %swap3A_824] : memref<1024x256xbf16, #tpu.memory_space<vmem>>, vector<1024x64xbf16>
    tpu.vector_store %arg14[%swap3A_823, %swap3A_824], %get3A_822 {strides = array<i32>} : memref<1024x256xbf16, #tpu.memory_space<vmem>>, vector<1024x64xbf16>,
    %get3A_826 = arith.constant 0 : index
    %get3A_827 = arith.constant 0 : index
    %get3A_828 = vector.load %arg14[%get3A_826, %get3A_827] : memref<1024x256xbf16, #tpu.memory_space<vmem>>, vector<1024x256xbf16>
    %get3A_829 = arith.constant 0 : index
    %get3A_830 = arith.constant 0 : index
    %get3A_831 = vector.load %arg4[%get3A_829, %get3A_830] : memref<256x512xbf16, #tpu.memory_space<vmem>>, vector<256x512xbf16>
    %dot_general3A_832 = arith.constant dense<0.000000e+00> : vector<1024x512xf32>
    %dot_general3A_833 = tpu.matmul %get3A_828, %get3A_831, %dot_general3A_832 {dimension_numbers = #tpu.dot_dimension_numbers<[1], [0], [0], [1], [0, 0, 1, 1], [], []>, transpose_lhs_hint = false} : vector<1024x256xbf16>, vector<256x512xbf16>, vector<1024x512xf32> -> vector<1024x512xf32>
    %convert_element_type3A_834 = arith.truncf %dot_general3A_833 : vector<1024x512xf32> to vector<1024x512xbf16>
    %slice3A_835 = vector.extract_strided_slice %convert_element_type3A_834 {offsets = [0, 0], sizes = [1024, 128], strides = [1, 1]} : vector<1024x512xbf16> to vector<1024x128xbf16>
    %tanh3A_836 = math.tanh %slice3A_835 : vector<1024x128xbf16>
    %mul3A_837 = arith.constant 5.000000e-01 : bf16
    %mul3A_838 = vector.broadcast %mul3A_837 : bf16 to vector<1024x128xbf16>
    %mul3A_839 = arith.mulf %mul3A_838, %tanh3A_836 : vector<1024x128xbf16>
    %add3A_840 = arith.constant 5.000000e-01 : bf16
    %add3A_841 = vector.broadcast %add3A_840 : bf16 to vector<1024x128xbf16>
    %add3A_842 = arith.addf %mul3A_839, %add3A_841 : vector<1024x128xbf16>
    %slice3A_843 = vector.extract_strided_slice %convert_element_type3A_834 {offsets = [0, 128], sizes = [1024, 128], strides = [1, 1]} : vector<1024x512xbf16> to vector<1024x128xbf16>
    %tanh3A_844 = math.tanh %slice3A_843 : vector<1024x128xbf16>
    %mul3A_845 = arith.constant 5.000000e-01 : bf16
    %mul3A_846 = vector.broadcast %mul3A_845 : bf16 to vector<1024x128xbf16>
    %mul3A_847 = arith.mulf %mul3A_846, %tanh3A_844 : vector<1024x128xbf16>
    %add3A_848 = arith.constant 5.000000e-01 : bf16
    %add3A_849 = vector.broadcast %add3A_848 : bf16 to vector<1024x128xbf16>
    %add3A_850 = arith.addf %mul3A_847, %add3A_849 : vector<1024x128xbf16>
    %slice3A_851 = vector.extract_strided_slice %convert_element_type3A_834 {offsets = [0, 256], sizes = [1024, 128], strides = [1, 1]} : vector<1024x512xbf16> to vector<1024x128xbf16>
    %tanh3A_852 = math.tanh %slice3A_851 : vector<1024x128xbf16>
    %slice3A_853 = vector.extract_strided_slice %convert_element_type3A_834 {offsets = [0, 384], sizes = [1024, 128], strides = [1, 1]} : vector<1024x512xbf16> to vector<1024x128xbf16>
    %tanh3A_854 = math.tanh %slice3A_853 : vector<1024x128xbf16>
    %mul3A_855 = arith.constant 5.000000e-01 : bf16
    %mul3A_856 = vector.broadcast %mul3A_855 : bf16 to vector<1024x128xbf16>
    %mul3A_857 = arith.mulf %mul3A_856, %tanh3A_854 : vector<1024x128xbf16>
    %add3A_858 = arith.constant 5.000000e-01 : bf16
    %add3A_859 = vector.broadcast %add3A_858 : bf16 to vector<1024x128xbf16>
    %add3A_860 = arith.addf %mul3A_857, %add3A_859 : vector<1024x128xbf16>
    %get3A_861 = arith.constant 0 : index
    %get3A_862 = arith.constant 0 : index
    %get3A_863 = vector.load %arg16[%get3A_861, %get3A_862] : memref<1024x128xbf16, #tpu.memory_space<vmem>>, vector<1024x128xbf16>
    %mul3A_864 = arith.mulf %add3A_850, %get3A_863 : vector<1024x128xbf16>
    %mul3A_865 = arith.mulf %add3A_842, %tanh3A_852 : vector<1024x128xbf16>
    %add3A_866 = arith.addf %mul3A_864, %mul3A_865 : vector<1024x128xbf16>
    %tanh3A_867 = math.tanh %add3A_866 : vector<1024x128xbf16>
    %mul3A_868 = arith.mulf %add3A_860, %tanh3A_867 : vector<1024x128xbf16>
    %swap3A_869 = arith.constant 0 : index
    %swap3A_870 = arith.constant 0 : index
    %swap3A_871 = vector.load %arg16[%swap3A_869, %swap3A_870] : memref<1024x128xbf16, #tpu.memory_space<vmem>>, vector<1024x128xbf16>
    tpu.vector_store %arg16[%swap3A_869, %swap3A_870], %add3A_866 {strides = array<i32>} : memref<1024x128xbf16, #tpu.memory_space<vmem>>, vector<1024x128xbf16>,
    %swap3A_872 = arith.constant 0 : index
    %swap3A_873 = arith.constant 0 : index
    %swap3A_874 = vector.load %arg14[%swap3A_872, %swap3A_873] : memref<1024x256xbf16, #tpu.memory_space<vmem>>, vector<1024x128xbf16>
    tpu.vector_store %arg14[%swap3A_872, %swap3A_873], %mul3A_868 {strides = array<i32>} : memref<1024x256xbf16, #tpu.memory_space<vmem>>, vector<1024x128xbf16>,
    %get3A_875 = arith.constant 3072 : index
    %get3A_876 = arith.constant 0 : index
    %get3A_877 = vector.load %arg2[%get3A_875, %get3A_876] : memref<10240x64xbf16, #tpu.memory_space<vmem>>, vector<1024x64xbf16>
    %swap3A_878 = arith.constant 0 : index
    %swap3A_879 = arith.constant 128 : index
    %swap3A_880 = vector.load %arg14[%swap3A_878, %swap3A_879] : memref<1024x256xbf16, #tpu.memory_space<vmem>>, vector<1024x64xbf16>
    tpu.vector_store %arg14[%swap3A_878, %swap3A_879], %get3A_877 {strides = array<i32>} : memref<1024x256xbf16, #tpu.memory_space<vmem>>, vector<1024x64xbf16>,
    %get3A_881 = arith.constant 0 : index
    %get3A_882 = arith.constant 0 : index
    %get3A_883 = vector.load %arg14[%get3A_881, %get3A_882] : memref<1024x256xbf16, #tpu.memory_space<vmem>>, vector<1024x256xbf16>
    %get3A_884 = arith.constant 0 : index
    %get3A_885 = arith.constant 0 : index
    %get3A_886 = vector.load %arg4[%get3A_884, %get3A_885] : memref<256x512xbf16, #tpu.memory_space<vmem>>, vector<256x512xbf16>
    %dot_general3A_887 = arith.constant dense<0.000000e+00> : vector<1024x512xf32>
    %dot_general3A_888 = tpu.matmul %get3A_883, %get3A_886, %dot_general3A_887 {dimension_numbers = #tpu.dot_dimension_numbers<[1], [0], [0], [1], [0, 0, 1, 1], [], []>, transpose_lhs_hint = false} : vector<1024x256xbf16>, vector<256x512xbf16>, vector<1024x512xf32> -> vector<1024x512xf32>
    %convert_element_type3A_889 = arith.truncf %dot_general3A_888 : vector<1024x512xf32> to vector<1024x512xbf16>
    %slice3A_890 = vector.extract_strided_slice %convert_element_type3A_889 {offsets = [0, 0], sizes = [1024, 128], strides = [1, 1]} : vector<1024x512xbf16> to vector<1024x128xbf16>
    %tanh3A_891 = math.tanh %slice3A_890 : vector<1024x128xbf16>
    %mul3A_892 = arith.constant 5.000000e-01 : bf16
    %mul3A_893 = vector.broadcast %mul3A_892 : bf16 to vector<1024x128xbf16>
    %mul3A_894 = arith.mulf %mul3A_893, %tanh3A_891 : vector<1024x128xbf16>
    %add3A_895 = arith.constant 5.000000e-01 : bf16
    %add3A_896 = vector.broadcast %add3A_895 : bf16 to vector<1024x128xbf16>
    %add3A_897 = arith.addf %mul3A_894, %add3A_896 : vector<1024x128xbf16>
    %slice3A_898 = vector.extract_strided_slice %convert_element_type3A_889 {offsets = [0, 128], sizes = [1024, 128], strides = [1, 1]} : vector<1024x512xbf16> to vector<1024x128xbf16>
    %tanh3A_899 = math.tanh %slice3A_898 : vector<1024x128xbf16>
    %mul3A_900 = arith.constant 5.000000e-01 : bf16
    %mul3A_901 = vector.broadcast %mul3A_900 : bf16 to vector<1024x128xbf16>
    %mul3A_902 = arith.mulf %mul3A_901, %tanh3A_899 : vector<1024x128xbf16>
    %add3A_903 = arith.constant 5.000000e-01 : bf16
    %add3A_904 = vector.broadcast %add3A_903 : bf16 to vector<1024x128xbf16>
    %add3A_905 = arith.addf %mul3A_902, %add3A_904 : vector<1024x128xbf16>
    %slice3A_906 = vector.extract_strided_slice %convert_element_type3A_889 {offsets = [0, 256], sizes = [1024, 128], strides = [1, 1]} : vector<1024x512xbf16> to vector<1024x128xbf16>
    %tanh3A_907 = math.tanh %slice3A_906 : vector<1024x128xbf16>
    %slice3A_908 = vector.extract_strided_slice %convert_element_type3A_889 {offsets = [0, 384], sizes = [1024, 128], strides = [1, 1]} : vector<1024x512xbf16> to vector<1024x128xbf16>
    %tanh3A_909 = math.tanh %slice3A_908 : vector<1024x128xbf16>
    %mul3A_910 = arith.constant 5.000000e-01 : bf16
    %mul3A_911 = vector.broadcast %mul3A_910 : bf16 to vector<1024x128xbf16>
    %mul3A_912 = arith.mulf %mul3A_911, %tanh3A_909 : vector<1024x128xbf16>
    %add3A_913 = arith.constant 5.000000e-01 : bf16
    %add3A_914 = vector.broadcast %add3A_913 : bf16 to vector<1024x128xbf16>
    %add3A_915 = arith.addf %mul3A_912, %add3A_914 : vector<1024x128xbf16>
    %get3A_916 = arith.constant 0 : index
    %get3A_917 = arith.constant 0 : index
    %get3A_918 = vector.load %arg16[%get3A_916, %get3A_917] : memref<1024x128xbf16, #tpu.memory_space<vmem>>, vector<1024x128xbf16>
    %mul3A_919 = arith.mulf %add3A_905, %get3A_918 : vector<1024x128xbf16>
    %mul3A_920 = arith.mulf %add3A_897, %tanh3A_907 : vector<1024x128xbf16>
    %add3A_921 = arith.addf %mul3A_919, %mul3A_920 : vector<1024x128xbf16>
    %tanh3A_922 = math.tanh %add3A_921 : vector<1024x128xbf16>
    %mul3A_923 = arith.mulf %add3A_915, %tanh3A_922 : vector<1024x128xbf16>
    %swap3A_924 = arith.constant 0 : index
    %swap3A_925 = arith.constant 0 : index
    %swap3A_926 = vector.load %arg16[%swap3A_924, %swap3A_925] : memref<1024x128xbf16, #tpu.memory_space<vmem>>, vector<1024x128xbf16>
    tpu.vector_store %arg16[%swap3A_924, %swap3A_925], %add3A_921 {strides = array<i32>} : memref<1024x128xbf16, #tpu.memory_space<vmem>>, vector<1024x128xbf16>,
    %swap3A_927 = arith.constant 0 : index
    %swap3A_928 = arith.constant 0 : index
    %swap3A_929 = vector.load %arg14[%swap3A_927, %swap3A_928] : memref<1024x256xbf16, #tpu.memory_space<vmem>>, vector<1024x128xbf16>
    tpu.vector_store %arg14[%swap3A_927, %swap3A_928], %mul3A_923 {strides = array<i32>} : memref<1024x256xbf16, #tpu.memory_space<vmem>>, vector<1024x128xbf16>,
    %get3A_930 = arith.constant 2048 : index
    %get3A_931 = arith.constant 0 : index
    %get3A_932 = vector.load %arg2[%get3A_930, %get3A_931] : memref<10240x64xbf16, #tpu.memory_space<vmem>>, vector<1024x64xbf16>
    %swap3A_933 = arith.constant 0 : index
    %swap3A_934 = arith.constant 128 : index
    %swap3A_935 = vector.load %arg14[%swap3A_933, %swap3A_934] : memref<1024x256xbf16, #tpu.memory_space<vmem>>, vector<1024x64xbf16>
    tpu.vector_store %arg14[%swap3A_933, %swap3A_934], %get3A_932 {strides = array<i32>} : memref<1024x256xbf16, #tpu.memory_space<vmem>>, vector<1024x64xbf16>,
    %get3A_936 = arith.constant 0 : index
    %get3A_937 = arith.constant 0 : index
    %get3A_938 = vector.load %arg14[%get3A_936, %get3A_937] : memref<1024x256xbf16, #tpu.memory_space<vmem>>, vector<1024x256xbf16>
    %get3A_939 = arith.constant 0 : index
    %get3A_940 = arith.constant 0 : index
    %get3A_941 = vector.load %arg4[%get3A_939, %get3A_940] : memref<256x512xbf16, #tpu.memory_space<vmem>>, vector<256x512xbf16>
    %dot_general3A_942 = arith.constant dense<0.000000e+00> : vector<1024x512xf32>
    %dot_general3A_943 = tpu.matmul %get3A_938, %get3A_941, %dot_general3A_942 {dimension_numbers = #tpu.dot_dimension_numbers<[1], [0], [0], [1], [0, 0, 1, 1], [], []>, transpose_lhs_hint = false} : vector<1024x256xbf16>, vector<256x512xbf16>, vector<1024x512xf32> -> vector<1024x512xf32>
    %convert_element_type3A_944 = arith.truncf %dot_general3A_943 : vector<1024x512xf32> to vector<1024x512xbf16>
    %slice3A_945 = vector.extract_strided_slice %convert_element_type3A_944 {offsets = [0, 0], sizes = [1024, 128], strides = [1, 1]} : vector<1024x512xbf16> to vector<1024x128xbf16>
    %tanh3A_946 = math.tanh %slice3A_945 : vector<1024x128xbf16>
    %mul3A_947 = arith.constant 5.000000e-01 : bf16
    %mul3A_948 = vector.broadcast %mul3A_947 : bf16 to vector<1024x128xbf16>
    %mul3A_949 = arith.mulf %mul3A_948, %tanh3A_946 : vector<1024x128xbf16>
    %add3A_950 = arith.constant 5.000000e-01 : bf16
    %add3A_951 = vector.broadcast %add3A_950 : bf16 to vector<1024x128xbf16>
    %add3A_952 = arith.addf %mul3A_949, %add3A_951 : vector<1024x128xbf16>
    %slice3A_953 = vector.extract_strided_slice %convert_element_type3A_944 {offsets = [0, 128], sizes = [1024, 128], strides = [1, 1]} : vector<1024x512xbf16> to vector<1024x128xbf16>
    %tanh3A_954 = math.tanh %slice3A_953 : vector<1024x128xbf16>
    %mul3A_955 = arith.constant 5.000000e-01 : bf16
    %mul3A_956 = vector.broadcast %mul3A_955 : bf16 to vector<1024x128xbf16>
    %mul3A_957 = arith.mulf %mul3A_956, %tanh3A_954 : vector<1024x128xbf16>
    %add3A_958 = arith.constant 5.000000e-01 : bf16
    %add3A_959 = vector.broadcast %add3A_958 : bf16 to vector<1024x128xbf16>
    %add3A_960 = arith.addf %mul3A_957, %add3A_959 : vector<1024x128xbf16>
    %slice3A_961 = vector.extract_strided_slice %convert_element_type3A_944 {offsets = [0, 256], sizes = [1024, 128], strides = [1, 1]} : vector<1024x512xbf16> to vector<1024x128xbf16>
    %tanh3A_962 = math.tanh %slice3A_961 : vector<1024x128xbf16>
    %slice3A_963 = vector.extract_strided_slice %convert_element_type3A_944 {offsets = [0, 384], sizes = [1024, 128], strides = [1, 1]} : vector<1024x512xbf16> to vector<1024x128xbf16>
    %tanh3A_964 = math.tanh %slice3A_963 : vector<1024x128xbf16>
    %mul3A_965 = arith.constant 5.000000e-01 : bf16
    %mul3A_966 = vector.broadcast %mul3A_965 : bf16 to vector<1024x128xbf16>
    %mul3A_967 = arith.mulf %mul3A_966, %tanh3A_964 : vector<1024x128xbf16>
    %add3A_968 = arith.constant 5.000000e-01 : bf16
    %add3A_969 = vector.broadcast %add3A_968 : bf16 to vector<1024x128xbf16>
    %add3A_970 = arith.addf %mul3A_967, %add3A_969 : vector<1024x128xbf16>
    %get3A_971 = arith.constant 0 : index
    %get3A_972 = arith.constant 0 : index
    %get3A_973 = vector.load %arg16[%get3A_971, %get3A_972] : memref<1024x128xbf16, #tpu.memory_space<vmem>>, vector<1024x128xbf16>
    %mul3A_974 = arith.mulf %add3A_960, %get3A_973 : vector<1024x128xbf16>
    %mul3A_975 = arith.mulf %add3A_952, %tanh3A_962 : vector<1024x128xbf16>
    %add3A_976 = arith.addf %mul3A_974, %mul3A_975 : vector<1024x128xbf16>
    %tanh3A_977 = math.tanh %add3A_976 : vector<1024x128xbf16>
    %mul3A_978 = arith.mulf %add3A_970, %tanh3A_977 : vector<1024x128xbf16>
    %swap3A_979 = arith.constant 0 : index
    %swap3A_980 = arith.constant 0 : index
    %swap3A_981 = vector.load %arg16[%swap3A_979, %swap3A_980] : memref<1024x128xbf16, #tpu.memory_space<vmem>>, vector<1024x128xbf16>
    tpu.vector_store %arg16[%swap3A_979, %swap3A_980], %add3A_976 {strides = array<i32>} : memref<1024x128xbf16, #tpu.memory_space<vmem>>, vector<1024x128xbf16>,
    %swap3A_982 = arith.constant 0 : index
    %swap3A_983 = arith.constant 0 : index
    %swap3A_984 = vector.load %arg14[%swap3A_982, %swap3A_983] : memref<1024x256xbf16, #tpu.memory_space<vmem>>, vector<1024x128xbf16>
    tpu.vector_store %arg14[%swap3A_982, %swap3A_983], %mul3A_978 {strides = array<i32>} : memref<1024x256xbf16, #tpu.memory_space<vmem>>, vector<1024x128xbf16>,
    %get3A_985 = arith.constant 1024 : index
    %get3A_986 = arith.constant 0 : index
    %get3A_987 = vector.load %arg2[%get3A_985, %get3A_986] : memref<10240x64xbf16, #tpu.memory_space<vmem>>, vector<1024x64xbf16>
    %swap3A_988 = arith.constant 0 : index
    %swap3A_989 = arith.constant 128 : index
    %swap3A_990 = vector.load %arg14[%swap3A_988, %swap3A_989] : memref<1024x256xbf16, #tpu.memory_space<vmem>>, vector<1024x64xbf16>
    tpu.vector_store %arg14[%swap3A_988, %swap3A_989], %get3A_987 {strides = array<i32>} : memref<1024x256xbf16, #tpu.memory_space<vmem>>, vector<1024x64xbf16>,
    %get3A_991 = arith.constant 0 : index
    %get3A_992 = arith.constant 0 : index
    %get3A_993 = vector.load %arg14[%get3A_991, %get3A_992] : memref<1024x256xbf16, #tpu.memory_space<vmem>>, vector<1024x256xbf16>
    %get3A_994 = arith.constant 0 : index
    %get3A_995 = arith.constant 0 : index
    %get3A_996 = vector.load %arg4[%get3A_994, %get3A_995] : memref<256x512xbf16, #tpu.memory_space<vmem>>, vector<256x512xbf16>
    %dot_general3A_997 = arith.constant dense<0.000000e+00> : vector<1024x512xf32>
    %dot_general3A_998 = tpu.matmul %get3A_993, %get3A_996, %dot_general3A_997 {dimension_numbers = #tpu.dot_dimension_numbers<[1], [0], [0], [1], [0, 0, 1, 1], [], []>, transpose_lhs_hint = false} : vector<1024x256xbf16>, vector<256x512xbf16>, vector<1024x512xf32> -> vector<1024x512xf32>
    %convert_element_type3A_999 = arith.truncf %dot_general3A_998 : vector<1024x512xf32> to vector<1024x512xbf16>
    %slice3A_1000 = vector.extract_strided_slice %convert_element_type3A_999 {offsets = [0, 0], sizes = [1024, 128], strides = [1, 1]} : vector<1024x512xbf16> to vector<1024x128xbf16>
    %tanh3A_1001 = math.tanh %slice3A_1000 : vector<1024x128xbf16>
    %mul3A_1002 = arith.constant 5.000000e-01 : bf16
    %mul3A_1003 = vector.broadcast %mul3A_1002 : bf16 to vector<1024x128xbf16>
    %mul3A_1004 = arith.mulf %mul3A_1003, %tanh3A_1001 : vector<1024x128xbf16>
    %add3A_1005 = arith.constant 5.000000e-01 : bf16
    %add3A_1006 = vector.broadcast %add3A_1005 : bf16 to vector<1024x128xbf16>
    %add3A_1007 = arith.addf %mul3A_1004, %add3A_1006 : vector<1024x128xbf16>
    %slice3A_1008 = vector.extract_strided_slice %convert_element_type3A_999 {offsets = [0, 128], sizes = [1024, 128], strides = [1, 1]} : vector<1024x512xbf16> to vector<1024x128xbf16>
    %tanh3A_1009 = math.tanh %slice3A_1008 : vector<1024x128xbf16>
    %mul3A_1010 = arith.constant 5.000000e-01 : bf16
    %mul3A_1011 = vector.broadcast %mul3A_1010 : bf16 to vector<1024x128xbf16>
    %mul3A_1012 = arith.mulf %mul3A_1011, %tanh3A_1009 : vector<1024x128xbf16>
    %add3A_1013 = arith.constant 5.000000e-01 : bf16
    %add3A_1014 = vector.broadcast %add3A_1013 : bf16 to vector<1024x128xbf16>
    %add3A_1015 = arith.addf %mul3A_1012, %add3A_1014 : vector<1024x128xbf16>
    %slice3A_1016 = vector.extract_strided_slice %convert_element_type3A_999 {offsets = [0, 256], sizes = [1024, 128], strides = [1, 1]} : vector<1024x512xbf16> to vector<1024x128xbf16>
    %tanh3A_1017 = math.tanh %slice3A_1016 : vector<1024x128xbf16>
    %slice3A_1018 = vector.extract_strided_slice %convert_element_type3A_999 {offsets = [0, 384], sizes = [1024, 128], strides = [1, 1]} : vector<1024x512xbf16> to vector<1024x128xbf16>
    %tanh3A_1019 = math.tanh %slice3A_1018 : vector<1024x128xbf16>
    %mul3A_1020 = arith.constant 5.000000e-01 : bf16
    %mul3A_1021 = vector.broadcast %mul3A_1020 : bf16 to vector<1024x128xbf16>
    %mul3A_1022 = arith.mulf %mul3A_1021, %tanh3A_1019 : vector<1024x128xbf16>
    %add3A_1023 = arith.constant 5.000000e-01 : bf16
    %add3A_1024 = vector.broadcast %add3A_1023 : bf16 to vector<1024x128xbf16>
    %add3A_1025 = arith.addf %mul3A_1022, %add3A_1024 : vector<1024x128xbf16>
    %get3A_1026 = arith.constant 0 : index
    %get3A_1027 = arith.constant 0 : index
    %get3A_1028 = vector.load %arg16[%get3A_1026, %get3A_1027] : memref<1024x128xbf16, #tpu.memory_space<vmem>>, vector<1024x128xbf16>
    %mul3A_1029 = arith.mulf %add3A_1015, %get3A_1028 : vector<1024x128xbf16>
    %mul3A_1030 = arith.mulf %add3A_1007, %tanh3A_1017 : vector<1024x128xbf16>
    %add3A_1031 = arith.addf %mul3A_1029, %mul3A_1030 : vector<1024x128xbf16>
    %tanh3A_1032 = math.tanh %add3A_1031 : vector<1024x128xbf16>
    %mul3A_1033 = arith.mulf %add3A_1025, %tanh3A_1032 : vector<1024x128xbf16>
    %swap3A_1034 = arith.constant 0 : index
    %swap3A_1035 = arith.constant 0 : index
    %swap3A_1036 = vector.load %arg16[%swap3A_1034, %swap3A_1035] : memref<1024x128xbf16, #tpu.memory_space<vmem>>, vector<1024x128xbf16>
    tpu.vector_store %arg16[%swap3A_1034, %swap3A_1035], %add3A_1031 {strides = array<i32>} : memref<1024x128xbf16, #tpu.memory_space<vmem>>, vector<1024x128xbf16>,
    %swap3A_1037 = arith.constant 0 : index
    %swap3A_1038 = arith.constant 0 : index
    %swap3A_1039 = vector.load %arg14[%swap3A_1037, %swap3A_1038] : memref<1024x256xbf16, #tpu.memory_space<vmem>>, vector<1024x128xbf16>
    tpu.vector_store %arg14[%swap3A_1037, %swap3A_1038], %mul3A_1033 {strides = array<i32>} : memref<1024x256xbf16, #tpu.memory_space<vmem>>, vector<1024x128xbf16>,
    %get3A_1040 = arith.constant 0 : index
    %get3A_1041 = arith.constant 0 : index
    %get3A_1042 = vector.load %arg2[%get3A_1040, %get3A_1041] : memref<10240x64xbf16, #tpu.memory_space<vmem>>, vector<1024x64xbf16>
    %swap3A_1043 = arith.constant 0 : index
    %swap3A_1044 = arith.constant 128 : index
    %swap3A_1045 = vector.load %arg14[%swap3A_1043, %swap3A_1044] : memref<1024x256xbf16, #tpu.memory_space<vmem>>, vector<1024x64xbf16>
    tpu.vector_store %arg14[%swap3A_1043, %swap3A_1044], %get3A_1042 {strides = array<i32>} : memref<1024x256xbf16, #tpu.memory_space<vmem>>, vector<1024x64xbf16>,
    %get3A_1046 = arith.constant 0 : index
    %get3A_1047 = arith.constant 0 : index
    %get3A_1048 = vector.load %arg14[%get3A_1046, %get3A_1047] : memref<1024x256xbf16, #tpu.memory_space<vmem>>, vector<1024x256xbf16>
    %get3A_1049 = arith.constant 0 : index
    %get3A_1050 = arith.constant 0 : index
    %get3A_1051 = vector.load %arg4[%get3A_1049, %get3A_1050] : memref<256x512xbf16, #tpu.memory_space<vmem>>, vector<256x512xbf16>
    %dot_general3A_1052 = arith.constant dense<0.000000e+00> : vector<1024x512xf32>
    %dot_general3A_1053 = tpu.matmul %get3A_1048, %get3A_1051, %dot_general3A_1052 {dimension_numbers = #tpu.dot_dimension_numbers<[1], [0], [0], [1], [0, 0, 1, 1], [], []>, transpose_lhs_hint = false} : vector<1024x256xbf16>, vector<256x512xbf16>, vector<1024x512xf32> -> vector<1024x512xf32>
    %convert_element_type3A_1054 = arith.truncf %dot_general3A_1053 : vector<1024x512xf32> to vector<1024x512xbf16>
    %slice3A_1055 = vector.extract_strided_slice %convert_element_type3A_1054 {offsets = [0, 0], sizes = [1024, 128], strides = [1, 1]} : vector<1024x512xbf16> to vector<1024x128xbf16>
    %tanh3A_1056 = math.tanh %slice3A_1055 : vector<1024x128xbf16>
    %mul3A_1057 = arith.constant 5.000000e-01 : bf16
    %mul3A_1058 = vector.broadcast %mul3A_1057 : bf16 to vector<1024x128xbf16>
    %mul3A_1059 = arith.mulf %mul3A_1058, %tanh3A_1056 : vector<1024x128xbf16>
    %add3A_1060 = arith.constant 5.000000e-01 : bf16
    %add3A_1061 = vector.broadcast %add3A_1060 : bf16 to vector<1024x128xbf16>
    %add3A_1062 = arith.addf %mul3A_1059, %add3A_1061 : vector<1024x128xbf16>
    %slice3A_1063 = vector.extract_strided_slice %convert_element_type3A_1054 {offsets = [0, 128], sizes = [1024, 128], strides = [1, 1]} : vector<1024x512xbf16> to vector<1024x128xbf16>
    %tanh3A_1064 = math.tanh %slice3A_1063 : vector<1024x128xbf16>
    %mul3A_1065 = arith.constant 5.000000e-01 : bf16
    %mul3A_1066 = vector.broadcast %mul3A_1065 : bf16 to vector<1024x128xbf16>
    %mul3A_1067 = arith.mulf %mul3A_1066, %tanh3A_1064 : vector<1024x128xbf16>
    %add3A_1068 = arith.constant 5.000000e-01 : bf16
    %add3A_1069 = vector.broadcast %add3A_1068 : bf16 to vector<1024x128xbf16>
    %add3A_1070 = arith.addf %mul3A_1067, %add3A_1069 : vector<1024x128xbf16>
    %slice3A_1071 = vector.extract_strided_slice %convert_element_type3A_1054 {offsets = [0, 256], sizes = [1024, 128], strides = [1, 1]} : vector<1024x512xbf16> to vector<1024x128xbf16>
    %tanh3A_1072 = math.tanh %slice3A_1071 : vector<1024x128xbf16>
    %slice3A_1073 = vector.extract_strided_slice %convert_element_type3A_1054 {offsets = [0, 384], sizes = [1024, 128], strides = [1, 1]} : vector<1024x512xbf16> to vector<1024x128xbf16>
    %tanh3A_1074 = math.tanh %slice3A_1073 : vector<1024x128xbf16>
    %mul3A_1075 = arith.constant 5.000000e-01 : bf16
    %mul3A_1076 = vector.broadcast %mul3A_1075 : bf16 to vector<1024x128xbf16>
    %mul3A_1077 = arith.mulf %mul3A_1076, %tanh3A_1074 : vector<1024x128xbf16>
    %add3A_1078 = arith.constant 5.000000e-01 : bf16
    %add3A_1079 = vector.broadcast %add3A_1078 : bf16 to vector<1024x128xbf16>
    %add3A_1080 = arith.addf %mul3A_1077, %add3A_1079 : vector<1024x128xbf16>
    %get3A_1081 = arith.constant 0 : index
    %get3A_1082 = arith.constant 0 : index
    %get3A_1083 = vector.load %arg16[%get3A_1081, %get3A_1082] : memref<1024x128xbf16, #tpu.memory_space<vmem>>, vector<1024x128xbf16>
    %mul3A_1084 = arith.mulf %add3A_1070, %get3A_1083 : vector<1024x128xbf16>
    %mul3A_1085 = arith.mulf %add3A_1062, %tanh3A_1072 : vector<1024x128xbf16>
    %add3A_1086 = arith.addf %mul3A_1084, %mul3A_1085 : vector<1024x128xbf16>
    %tanh3A_1087 = math.tanh %add3A_1086 : vector<1024x128xbf16>
    %mul3A_1088 = arith.mulf %add3A_1080, %tanh3A_1087 : vector<1024x128xbf16>
    %swap3A_1089 = arith.constant 0 : index
    %swap3A_1090 = arith.constant 0 : index
    %swap3A_1091 = vector.load %arg16[%swap3A_1089, %swap3A_1090] : memref<1024x128xbf16, #tpu.memory_space<vmem>>, vector<1024x128xbf16>
    tpu.vector_store %arg16[%swap3A_1089, %swap3A_1090], %add3A_1086 {strides = array<i32>} : memref<1024x128xbf16, #tpu.memory_space<vmem>>, vector<1024x128xbf16>,
    %swap3A_1092 = arith.constant 0 : index
    %swap3A_1093 = arith.constant 0 : index
    %swap3A_1094 = vector.load %arg14[%swap3A_1092, %swap3A_1093] : memref<1024x256xbf16, #tpu.memory_space<vmem>>, vector<1024x128xbf16>
    tpu.vector_store %arg14[%swap3A_1092, %swap3A_1093], %mul3A_1088 {strides = array<i32>} : memref<1024x256xbf16, #tpu.memory_space<vmem>>, vector<1024x128xbf16>,
    %eq3A_1095 = arith.constant 19 : i32
    %eq3A_1096 = arith.cmpi eq, %arg0, %eq3A_1095 : i32
    %convert_element_type3A_1097 = arith.extui %eq3A_1096 : i1 to i32
    %cond3A_1098 = arith.constant 0 : i32
    %cond3A_1099 = arith.cmpi ne, %convert_element_type3A_1097, %cond3A_1098 : i32
    scf.if %cond3A_1099 {
      %convert_element_type3A_1100 = arith.extf %mul3A_538 : vector<1024x128xbf16> to vector<1024x128xf32>
      %get3A_1101 = arith.constant 0 : index
      %get3A_1102 = arith.constant 0 : index
      %get3A_1103 = vector.load %arg5[%get3A_1101, %get3A_1102] : memref<128x64xf32, #tpu.memory_space<vmem>>, vector<128x64xf32>
      %dot_general3A_1104 = arith.constant dense<0.000000e+00> : vector<1024x64xf32>
      %dot_general3A_1105 = tpu.matmul %convert_element_type3A_1100, %get3A_1103, %dot_general3A_1104 {dimension_numbers = #tpu.dot_dimension_numbers<[1], [0], [0], [1], [0, 0, 1, 1], [], []>, transpose_lhs_hint = false} : vector<1024x128xf32>, vector<128x64xf32>, vector<1024x64xf32> -> vector<1024x64xf32>
      %convert_element_type3A_1106 = arith.extf %mul3A_1088 : vector<1024x128xbf16> to vector<1024x128xf32>
      %get3A_1107 = arith.constant 0 : index
      %get3A_1108 = arith.constant 0 : index
      %get3A_1109 = vector.load %arg6[%get3A_1107, %get3A_1108] : memref<128x64xf32, #tpu.memory_space<vmem>>, vector<128x64xf32>
      %dot_general3A_1110 = arith.constant dense<0.000000e+00> : vector<1024x64xf32>
      %dot_general3A_1111 = tpu.matmul %convert_element_type3A_1106, %get3A_1109, %dot_general3A_1110 {dimension_numbers = #tpu.dot_dimension_numbers<[1], [0], [0], [1], [0, 0, 1, 1], [], []>, transpose_lhs_hint = false} : vector<1024x128xf32>, vector<128x64xf32>, vector<1024x64xf32> -> vector<1024x64xf32>
      %add3A_1112 = arith.addf %dot_general3A_1105, %dot_general3A_1111 : vector<1024x64xf32>
      %get3A_1113 = arith.constant 0 : index
      %get3A_1114 = arith.constant 0 : index
      %get3A_1115 = vector.load %arg7[%get3A_1113, %get3A_1114] : memref<1x64xf32, #tpu.memory_space<vmem>>, vector<1x64xf32>
      %add3A_1116 = vector.broadcast %get3A_1115 : vector<1x64xf32> to vector<1024x64xf32>
      %add3A_1117 = arith.addf %add3A_1112, %add3A_1116 : vector<1024x64xf32>
      %max3A = arith.constant 0.000000e+00 : f32
      %max3A_1118 = vector.broadcast %max3A : f32 to vector<1024x64xf32>
      %max3A_1119 = arith.maximumf %add3A_1117, %max3A_1118 : vector<1024x64xf32>
      %get3A_1120 = arith.constant 0 : index
      %get3A_1121 = arith.constant 0 : index
      %get3A_1122 = vector.load %arg8[%get3A_1120, %get3A_1121] : memref<64x32xf32, #tpu.memory_space<vmem>>, vector<64x32xf32>
      %dot_general3A_1123 = arith.constant dense<0.000000e+00> : vector<1024x32xf32>
      %dot_general3A_1124 = tpu.matmul %max3A_1119, %get3A_1122, %dot_general3A_1123 {dimension_numbers = #tpu.dot_dimension_numbers<[1], [0], [0], [1], [0, 0, 1, 1], [], []>, transpose_lhs_hint = false} : vector<1024x64xf32>, vector<64x32xf32>, vector<1024x32xf32> -> vector<1024x32xf32>
      %get3A_1125 = arith.constant 0 : index
      %get3A_1126 = arith.constant 0 : index
      %get3A_1127 = vector.load %arg9[%get3A_1125, %get3A_1126] : memref<1x32xf32, #tpu.memory_space<vmem>>, vector<1x32xf32>
      %add3A_1128 = vector.broadcast %get3A_1127 : vector<1x32xf32> to vector<1024x32xf32>
      %add3A_1129 = arith.addf %dot_general3A_1124, %add3A_1128 : vector<1024x32xf32>
      %max3A_1130 = arith.constant 0.000000e+00 : f32
      %max3A_1131 = vector.broadcast %max3A_1130 : f32 to vector<1024x32xf32>
      %max3A_1132 = arith.maximumf %add3A_1129, %max3A_1131 : vector<1024x32xf32>
      %get3A_1133 = arith.constant 0 : index
      %get3A_1134 = arith.constant 0 : index
      %get3A_1135 = vector.load %arg10[%get3A_1133, %get3A_1134] : memref<32x6xf32, #tpu.memory_space<vmem>>, vector<32x6xf32>
      %dot_general3A_1136 = arith.constant dense<0.000000e+00> : vector<1024x6xf32>
      %dot_general3A_1137 = tpu.matmul %max3A_1132, %get3A_1135, %dot_general3A_1136 {dimension_numbers = #tpu.dot_dimension_numbers<[1], [0], [0], [1], [0, 0, 1, 1], [], []>, transpose_lhs_hint = false} : vector<1024x32xf32>, vector<32x6xf32>, vector<1024x6xf32> -> vector<1024x6xf32>
      %get3A_1138 = arith.constant 0 : index
      %get3A_1139 = arith.constant 0 : index
      %get3A_1140 = vector.load %arg11[%get3A_1138, %get3A_1139] : memref<1x6xf32, #tpu.memory_space<vmem>>, vector<1x6xf32>
      %add3A_1141 = vector.broadcast %get3A_1140 : vector<1x6xf32> to vector<1024x6xf32>
      %add3A_1142 = arith.addf %dot_general3A_1137, %add3A_1141 : vector<1024x6xf32>
      %reduce_max3A = arith.constant dense<0xFF800000> : vector<1024xf32>
      %reduce_max3A_1143 = vector.multi_reduction <maximumf>, %add3A_1142, %reduce_max3A [1] : vector<1024x6xf32> to vector<1024xf32>
      %broadcast_in_dim3A = vector.shape_cast %reduce_max3A_1143 : vector<1024xf32> to vector<1024x1xf32>
      %sub3A = vector.broadcast %broadcast_in_dim3A : vector<1024x1xf32> to vector<1024x6xf32>
      %sub3A_1144 = arith.subf %add3A_1142, %sub3A : vector<1024x6xf32>
      %exp3A = math.exp %sub3A_1144 : vector<1024x6xf32>
      %reduce_sum3A = arith.constant dense<0.000000e+00> : vector<1024xf32>
      %reduce_sum3A_1145 = vector.multi_reduction <add>, %exp3A, %reduce_sum3A [1] : vector<1024x6xf32> to vector<1024xf32>
      %broadcast_in_dim3A_1146 = vector.shape_cast %reduce_sum3A_1145 : vector<1024xf32> to vector<1024x1xf32>
      %div3A = vector.broadcast %broadcast_in_dim3A_1146 : vector<1024x1xf32> to vector<1024x6xf32>
      %div3A_1147 = arith.divf %exp3A, %div3A : vector<1024x6xf32>
      %swap3A_1148 = arith.constant 0 : index
      %swap3A_1149 = arith.constant 0 : index
      %swap3A_1150 = vector.load %arg12[%swap3A_1148, %swap3A_1149] : memref<1024x6xf32, #tpu.memory_space<vmem>>, vector<1024x6xf32>
      tpu.vector_store %arg12[%swap3A_1148, %swap3A_1149], %div3A_1147 {strides = array<i32>} : memref<1024x6xf32, #tpu.memory_space<vmem>>, vector<1024x6xf32>,
    } else {
    }
    return
  }
  func.func @transform_0(%arg0: i32) -> (i32, i32) {
    %c0_i32 = arith.constant 0 : i32
    %c0_i32_0 = arith.constant 0 : i32
    return %arg0, %c0_i32 : i32, i32
  }
  func.func @transform_1(%arg0: i32) -> (i32, i32) {
    %sub3A = arith.constant 19 : i32
    %sub3A_0 = arith.subi %sub3A, %arg0 : i32
    %c0_i32 = arith.constant 0 : i32
    %c0_i32_1 = arith.constant 0 : i32
    return %sub3A_0, %c0_i32 : i32, i32
  }
  func.func @transform_2(%arg0: i32) -> (i32, i32) {
    %c0_i32 = arith.constant 0 : i32
    %c0_i32_0 = arith.constant 0 : i32
    %c0_i32_1 = arith.constant 0 : i32
    return %c0_i32, %c0_i32_0 : i32, i32
  }
  func.func @transform_3(%arg0: i32) -> (i32, i32) {
    %c0_i32 = arith.constant 0 : i32
    %c0_i32_0 = arith.constant 0 : i32
    %c0_i32_1 = arith.constant 0 : i32
    return %c0_i32, %c0_i32_0 : i32, i32
  }
  func.func @transform_4(%arg0: i32) -> (i32, i32) {
    %c0_i32 = arith.constant 0 : i32
    %c0_i32_0 = arith.constant 0 : i32
    %c0_i32_1 = arith.constant 0 : i32
    return %c0_i32, %c0_i32_0 : i32, i32
  }
  func.func @transform_5(%arg0: i32) -> (i32, i32) {
    %c0_i32 = arith.constant 0 : i32
    %c0_i32_0 = arith.constant 0 : i32
    %c0_i32_1 = arith.constant 0 : i32
    return %c0_i32, %c0_i32_0 : i32, i32
  }
  func.func @transform_6(%arg0: i32) -> (i32, i32) {
    %c0_i32 = arith.constant 0 : i32
    %c0_i32_0 = arith.constant 0 : i32
    %c0_i32_1 = arith.constant 0 : i32
    return %c0_i32, %c0_i32_0 : i32, i32
  }
  func.func @transform_7(%arg0: i32) -> (i32, i32) {
    %c0_i32 = arith.constant 0 : i32
    %c0_i32_0 = arith.constant 0 : i32
    %c0_i32_1 = arith.constant 0 : i32
    return %c0_i32, %c0_i32_0 : i32, i32
  }
  func.func @transform_8(%arg0: i32) -> (i32, i32) {
    %c0_i32 = arith.constant 0 : i32
    %c0_i32_0 = arith.constant 0 : i32
    %c0_i32_1 = arith.constant 0 : i32
    return %c0_i32, %c0_i32_0 : i32, i32
  }
  func.func @transform_9(%arg0: i32) -> (i32, i32) {
    %c0_i32 = arith.constant 0 : i32
    %c0_i32_0 = arith.constant 0 : i32
    %c0_i32_1 = arith.constant 0 : i32
    return %c0_i32, %c0_i32_0 : i32, i32
  }
  func.func @transform_10(%arg0: i32) -> (i32, i32) {
    %c0_i32 = arith.constant 0 : i32
    %c0_i32_0 = arith.constant 0 : i32
    %c0_i32_1 = arith.constant 0 : i32
    return %c0_i32, %c0_i32_0 : i32, i32
  }
  func.func @transform_11(%arg0: i32) -> (i32, i32) {
    %c0_i32 = arith.constant 0 : i32
    %c0_i32_0 = arith.constant 0 : i32
    %c0_i32_1 = arith.constant 0 : i32
    return %c0_i32, %c0_i32_0 : i32, i32
  }
}

</mosaic_0001>

<sc_bundles>
// kernel: kernel.4.cloned.1.call-start
scs
__scs_entry_jumppad:
0x0: {  	(pc) =	sbr.rel $0x88, $3  }
0x1: {  	(tag) =	ssettag $0x0;
	lr =	simm.s32 $0x1  }
0x2: {  	[smem:$0x3F93] =	sst lr;
	_ =	strace $0xD0000000  }
0x3: {  	_ = 	snop  }
0x4: {  	_ = 	snop  }
0x5: {  	_ = 	snop  }
0x6: {  	_ = 	snop  }
0x7: {  	_ = 	snop  }
__scs_overlays_trampoline_lowered:
0x8: {  	[smem:$0x3FA2] =	sst s0  }
0x9: {  	[smem:$0x3FA3] =	sst s1  }
0xa: {  	[smem:$0x3FA4] =	sst s2  }
0xb: {  	[smem:$0x3FA5] =	sst s3  }
0xc: {  	[smem:$0x3FA6] =	sst s4  }
0xd: {  	[smem:$0x3FA7] =	sst s5  }
0xe: {  	[smem:$0x3FA8] =	sst s6  }
0xf: {  	[smem:$0x3FA9] =	sst s7  }
0x10: {  	[smem:$0x3FAA] =	sst s8  }
0x11: {  	[smem:$0x3FAB] =	sst s9;
	s0 =	simm.s32 @!p0 $0x0  }
0x12: {  	s1 =	sld [smem:$0x3F91];
	s0 =	simm.s32 @p0 $0x1  }
0x13: {  	[smem:$0x3FAC] =	sst s0;
	s0 =	simm.s32 @!p1 $0x0  }
0x14: {  	s2 =	sld [smem:$0x3F90];
	s0 =	simm.s32 @p1 $0x1  }
0x15: {  	[smem:$0x3FAD] =	sst s0;
	s0 =	simm.s32 @!p2 $0x0  }
0x16: {  	s3 =	sld [smem:$0x3FDB];
	s0 =	simm.s32 @p2 $0x1  }
0x17: {  	s4 =	simm.s32 $0x1BF5;
	[smem:$0x3FAF] =	sst s0  }
0x18: {  	s0 =	sld [smem:$0x3F92];
	_ =	swait.ge [sflag:s4], $0x0  }
0x19: {  	s7 =	sld [smem:$0x3F93]  }
0x1a: {  	s8 =	sadd.s32 $0xFFFFE003, lr  }
0x1b: {  	s9 =	sadd.s32 $0xFFFFFEF7, lr;
	s5 =	simm.s32 $0xFFFFFFFF;
	p2 =	slt.u32 s8, $0xFFFFF086  }
0x1c: {  	p1 =	slt.u32 s9, $0xF7A;
	s5 =	simm.s32 @!p2 $0x0  }
0x1d: {  	s5 =	simm.s32 @p1 $0x1;
	p0 =	seq.s32 s7, s2  }
0x1e: {  	s7 =	smul.u32 @!p0 $0xF7A, s2;
	p2 =	seq.s32 @!p0 s5, $0x0  }
0x1f: {  	s9 =	smul.u32 $0xF7A, s1;
	s8 =	simm.s32 @!p0 $0x1BF5;
	p2 =	por !p2, p0  }
0x20: {  	[sflag:s8] =	ssyncset.s32 @!p0 $0xFFFFF086;
	s6 =	sadd.s32 @!p0 s3, s7;
	s7 =	simm.s32 @!p0 $0x108  }
0x21: {  	s3 =	sadd.s32 s3, s9;
	s6 =	sadd.s32 @!p0 $0x88, s6;
	s7 =	simm.s32 @p2 $0x1082  }
0x22: {  	[simem:s7], [sflag:s8] =	dma.local @!p0 [hbm:s6], $0xF7A  }
0x23: {  	s9 =	sor.u32 $0xD0000000, s2;
	s6 =	simm.s32 $0x108;
	_ =	swait.ge @!p0 [sflag:s8], $0x0  }
0x24: {  	s3 =	sadd.s32 $0x88, s3;
	s6 =	simm.s32 @!p1 $0x1082;
	[sflag:s4] =	ssyncset.s32 $0xFFFFF086  }
0x25: {  	[simem:s6], [sflag:s4] =	dma.local [hbm:s3], $0xF7A  }
0x26: {  	[smem:$0x3F93] =	sst s1;
	(tag) =	ssettag s2;
	_ =	strace s9  }
0x27: {  	s1 =	sld [smem:$0x3FA3]  }
0x28: {  	s2 =	sld [smem:$0x3FA4]  }
0x29: {  	s4 =	sld [smem:$0x3FA6]  }
0x2a: {  	p0 =	seq.s32 s5, $0x0;
	s5 =	sld [smem:$0x3FA7]  }
0x2b: {  	s6 =	sld [smem:$0x3FA8]  }
0x2c: {  	s7 =	sld [smem:$0x3FA9]  }
0x2d: {  	s3 =	simm.s32 $0x108;
	s8 =	sld [smem:$0x3FAA]  }
0x2e: {  	s3 =	simm.s32 @!p0 $0x1082;
	s9 =	sld [smem:$0x3FAB]  }
0x2f: {  	lr =	sadd.s32 s0, s3;
	s0 =	sld [smem:$0x3FA2]  }
0x30: {  	s3 =	sld [smem:$0x3FA5]  }
0x31: {  	[smem:$0x3FAE] =	sst s10  }
0x32: {  	s10 =	sld [smem:$0x3FAC];
	_ =	sdelay $0x3  }
0x33: {  	p0 =	seq.s32 s10, $0x1;
	s10 =	sld [smem:$0x3FAE];
	_ =	sdelay $0x3  }
0x34: {  	[smem:$0x3FAE] =	sst s10  }
0x35: {  	s10 =	sld [smem:$0x3FAD];
	_ =	sdelay $0x3  }
0x36: {  	p1 =	seq.s32 s10, $0x1;
	s10 =	sld [smem:$0x3FAE];
	_ =	sdelay $0x3  }
0x37: {  	[smem:$0x3FAE] =	sst s10  }
0x38: {  	s10 =	sld [smem:$0x3FAF]  }
0x39: {  	_ = 	snop;
	(pc) =	sbr.ind lr, $3  }
0x3a: {  	_ = 	snop  }
0x3b: {  	_ = 	snop  }
0x3c: {  	p2 =	seq.s32 s10, $0x1;
	s10 =	sld [smem:$0x3FAE]  }
0x3d: {  	_ =	shalt  }
0x3e: {  	_ =	shalt  }
0x3f: {  	_ =	shalt  }
0x40: {  	_ =	shalt  }
0x41: {  	_ =	shalt  }
0x42: {  	_ =	shalt  }
0x43: {  	_ =	shalt  }
0x44: {  	_ =	shalt  }
0x45: {  	_ =	shalt  }
0x46: {  	_ =	shalt  }
0x47: {  	_ =	shalt  }
0x48: {  	_ =	shalt  }
0x49: {  	_ =	shalt  }
0x4a: {  	_ =	shalt  }
0x4b: {  	_ =	shalt  }
0x4c: {  	_ =	shalt  }
0x4d: {  	_ =	shalt  }
0x4e: {  	_ =	shalt  }
0x4f: {  	_ =	shalt  }
0x50: {  	_ =	shalt  }
0x51: {  	_ =	shalt  }
0x52: {  	_ =	shalt  }
0x53: {  	_ =	shalt  }
0x54: {  	_ =	shalt  }
0x55: {  	_ =	shalt  }
0x56: {  	_ =	shalt  }
0x57: {  	_ =	shalt  }
0x58: {  	_ =	shalt  }
0x59: {  	_ =	shalt  }
0x5a: {  	_ =	shalt  }
0x5b: {  	_ =	shalt  }
0x5c: {  	_ =	shalt  }
0x5d: {  	_ =	shalt  }
0x5e: {  	_ =	shalt  }
0x5f: {  	_ =	shalt  }
0x60: {  	_ =	shalt  }
0x61: {  	_ =	shalt  }
0x62: {  	_ =	shalt  }
0x63: {  	_ =	shalt  }
0x64: {  	_ =	shalt  }
0x65: {  	_ =	shalt  }
0x66: {  	_ =	shalt  }
0x67: {  	_ =	shalt  }
0x68: {  	_ =	shalt  }
0x69: {  	_ =	shalt  }
0x6a: {  	_ =	shalt  }
0x6b: {  	_ =	shalt  }
0x6c: {  	_ =	shalt  }
0x6d: {  	_ =	shalt  }
0x6e: {  	_ =	shalt  }
0x6f: {  	_ =	shalt  }
0x70: {  	_ =	shalt  }
0x71: {  	_ =	shalt  }
0x72: {  	_ =	shalt  }
0x73: {  	_ =	shalt  }
0x74: {  	_ =	shalt  }
0x75: {  	_ =	shalt  }
0x76: {  	_ =	shalt  }
0x77: {  	_ =	shalt  }
0x78: {  	_ =	shalt  }
0x79: {  	_ =	shalt  }
0x7a: {  	_ =	shalt  }
0x7b: {  	_ =	shalt  }
0x7c: {  	_ =	shalt  }
0x7d: {  	_ =	shalt  }
0x7e: {  	_ =	shalt  }
0x7f: {  	_ =	shalt  }
0x80: {  	_ =	shalt  }
0x81: {  	_ =	shalt  }
0x82: {  	_ =	shalt  }
0x83: {  	_ =	shalt  }
0x84: {  	_ =	shalt  }
0x85: {  	_ =	shalt  }
0x86: {  	_ =	shalt  }
0x87: {  	_ =	shalt  }
.Lfunc_end0:
.L_simem_size_0:
called_computation_lowered:
.L_overlay_start_0:
0x88: {  	s2 =	sld [smem:$0x3FD9]  }
0x89: {  	s3 =	sld [smem:$0x3FFE];
	_ =	sdelay $0x1  }
0x8a: {  	s1 =	srdreg.scid  }
0x8b: {  	s0 =	sand.u32 $0x1, s1  }
0x8c: {  	s16 =	sshll.u32 s0, $0xA;
	s2 =	sadd.s32 s3, s2  }
0x8d: {  	s2 =	sadd.s32 s2, s16  }
0x8e: {  	[smem:$0x3FBA] =	sst s2  }
0x8f: {  	_ = 	snop  }
0x90: {  	(tm) =	ssettm $0x1  }
0x91: {  	s17 =	sld [smem:$0x3FFB];
	_ =	sdelay $0x3  }
0x92: {  	_ =	strace s17  }
0x93: {  	s2 =	sld [smem:$0x3FFC];
	_ =	sdelay $0x3  }
0x94: {  	_ =	strace s2  }
0x95: {  	s2 =	sld [smem:$0x3FFD];
	_ =	sdelay $0x3  }
0x96: {  	_ =	strace s2  }
0x97: {  	_ =	strace $0x8FFFFFFF  }
0x98: {  	s18 =	sld [smem:$0x3FDB];
	_ =	sdelay $0x1  }
0x99: {  	s19 =	simm.s32 $_scs_section_size  }
0x9a: {  	s4 =	simm.s32 $_size__tile_overlayer_lowered;
	s5 =	simm.s32 $_tile_overlayer_lowered  }
0x9b: {  	s22 =	simm.s32 $0x1BFF;
	s21 =	sshll.u32 s5, $0x1;
	s2 =	sadd.s32 s19, s18  }
0x9c: {  	s6 =	simm.s32 $0x0;
	s20 =	sshll.u32 s4, $0x1;
	s4 =	sadd.s32 s21, s2  }
0x9d: {  	[timem:s6], [sflag:s22] =	dma.local [hbm:s4], s20  }
0x9e: {  	_ =	swait.ge [sflag:s22], s20  }
0x9f: {  	s3 =	ssub.s32 $0x0, s20;
	[sflag:s22] =	ssyncset.done $0x0  }
0xa0: {  	[sflag:s22] =	ssyncadd.s32 s3;
	_ =	sdelay $0x1  }
0xa1: {  	s23 =	simm.s32 $0x1B8B  }
0xa2: {  	_ =	swait.ge [sflag:s23], $0x1  }
0xa3: {  	[sflag:s23] =	ssyncset.done $0x0  }
0xa4: {  	s25 =	simm.s32 $0x1B8E;
	s24 =	sld [smem:$0x3FFE];
	[sflag:s23] =	ssyncadd.s32 $0xFFFFFFFF  }
0xa5: {  	s26 =	simm.s32 $execute0_lowered;
	[smem:$0x3FD2] =	sst s25  }
0xa6: {  	s4 =	sshll.u32 s26, $0x1;
	_ =	strace $0x80000046;
	[dreg:$0x1] =	wrdreg $0xFFFFFFFF  }
0xa7: {  	s28 =	simm.s32 $_size_execute0_lowered;
	s2 =	sadd.s32 s2, s4;
	[dreg:$0x0] =	wrdreg $0x0  }
0xa8: {  	s4 =	sshll.u32 s28, $0x1;
	[dreg:$0x2] =	wrdreg s2  }
0xa9: {  	[dreg:$0x3] =	wrdreg s4  }
0xaa: {  	[dreg:$0x4] =	wrdreg $0xC0  }
0xab: {  	_ =	task [dreg:s6], $0x5FFFF  }
0xac: {  	[dreg:$0x1] =	wrdreg $0xFFFFFFFF  }
0xad: {  	[dreg:$0x0] =	wrdreg $0x60  }
0xae: {  	[dreg:$0x2] =	wrdreg s24  }
0xaf: {  	[dreg:$0x3] =	wrdreg $0x9  }
0xb0: {  	_ =	task.clear_ibuf [dreg:s6], $0x4FFFF;
	_ =	strace $0x90000046  }
0xb1: {  	s29 =	simm.s32 $0x9;
	_ =	strace $0x80000048  }
0xb2: {  	_ =	swait.ge [sflag:s29], $0x1  }
0xb3: {  	[sflag:s29] =	ssyncadd.s32 $0xFFFFFFFF  }
0xb4: {  	_ =	strace $0x90000048  }
0xb5: {  	_ =	sfence  }
0xb6: {  	s30 =	sld [smem:$0x0];
	_ =	sdelay $0x2  }
0xb7: {  	s31 =	sshll.u32 s1, $0xD;
	s1 =	sshrl.u32 s1, $0x2  }
0xb8: {  	s3 =	sand.u32 $0x4000, s31;
	s1 =	sadd.s32 s1, s30  }
0xb9: {  	s0 =	sor.u32 s3, s0;
	s1 =	sshll.u32 s1, $0x11  }
0xba: {  	s0 =	sor.u32 s1, s0  }
0xbb: {  	s0 =	sadd.s32 $0x8F2B, s0  }
0xbc: {  	[sflag:s0] =	ssyncadd.remote.s32 $0x1  }
0xbd: {  	_ =	sfence.sel $0xFFFF  }
0xbe: {  	[dreg:$0x0] =	wrdreg $0xFFFFFFFF;
	(pc) =	sbr.abs _section_cstart, $3  }
0xbf: {  	[dreg:$0x1] =	wrdreg $0xFFFFFFFF  }
0xc0: {  	_ =	task.clear_ibuf [dreg:s6], $0x2FFFF;
	_ =	strace $0x9FFFFFFF  }
0xc1: {  	(tm) =	ssettm $0x7FFFFFFF  }
tec
execute0_lowered:
.L_overlay_start_1:
0x0: {  	(tag) =	ssettag $0x1  }
0x1: {  	s1 =	srdreg.scid;
	s0 =	stileid.u32  }
0x2: {  	s18 =	sand.u32 $0x1, s1;
	s30 =	sshll.u32 s0, $0x1  }
0x3: {  	s12 =	sor.u32 s18, s30  }
0x4: {  	s3 =	smul.u32 $0x320, s12  }
0x5: {  	s9 =	rddreg [dreg:$0x0];
	s2 =	simm.s32 $0x0  }
0x6: {  	s4 =	simm.s32 $0x5;
	[smem:$0x7FF] =	sst s2;
	s3 =	sadd.s32 s3, s9  }
0x7: {  	s1 =	rddreg [dreg:$0x1];
	_ =	strace $0x80000047;
	s3 =	sadd.s32 $0x2000, s3  }
0x8: {  	[tilespmem:s2], [sflag:$0x5] =	stream.linear.gather [hbm4b:s3+s2], $0x1900, $0x38;
	[tilespmem:$0x1A900] =	vst v63  }
0x9: {  	_ =	swait.ge [sflag:s4], $0x1900  }
0xa: {  	s6 =	simm.s32 $0x640;
	s7 =	simm.s32 $0x1900;
	[sflag:s4] =	ssyncset.done $0x0  }
0xb: {  	s8 =	simm.s32 $0x1;
	s5 =	sadd.s32 $0x8400, s9;
	[sflag:s4] =	ssyncadd.s32 $0xFFFFE700  }
0xc: {  	[tilespmem:s7], [sflag:$0x1] =	stream.indirect.gather [hbm4b:s5+s6], $0x20, s2, s6, $0xb8;
	[tilespmem:$0x1A900] =	vst v63  }
0xd: {  	_ =	swait.ge [sflag:s8], $0xC800  }
0xe: {  	s13 =	sadd.s32 $0x6A000, s9;
	[sflag:s8] =	ssyncset.done $0x0  }
0xf: {  	s10 =	smul.u32 $0x6400, s12;
	s9 =	simm.s32 $0xE100;
	[sflag:s8] =	ssyncadd.s32 $0xFFFF3800  }
0x10: {  	[tilespmem:s9], [sflag:$0x2] =	stream.indirect.gather [hbm4b:s5+s6], $0x20, s6, s6, $0xb8;
	[tilespmem:$0x1A900] =	vst v63  }
0x11: {  	s11 =	simm.s32 $0x2;
	s10 =	sadd.s32 s13, s10  }
0x12: {  	[hbm4b:s10+s2] =	stream.linear.scatter [tilespmem:s7], [sflag:$0x3], $0xC800, $0x38;
	[tilespmem:$0x1A900] =	vst v63  }
0x13: {  	_ =	swait.ge [sflag:s11], $0xC800  }
0x14: {  	[sflag:s11] =	ssyncset.done $0x0  }
0x15: {  	s14 =	smul.u32 $0x64000, s12;
	s12 =	simm.s32 $0x3;
	[sflag:s11] =	ssyncadd.s32 $0xFFFF3800  }
0x16: {  	_ =	swait.ge [sflag:s12], $0xC800  }
0x17: {  	s14 =	sshrl.u32 s14, $0x4;
	[sflag:s12] =	ssyncset.done $0x0  }
0x18: {  	s19 =	sadd.s32 s13, s14;
	s13 =	simm.s32 $0xC80;
	[sflag:s12] =	ssyncadd.s32 $0xFFFF3800  }
0x19: {  	[tilespmem:s7], [sflag:$0x1] =	stream.indirect.gather [hbm4b:s5+s6], $0x20, s13, s6, $0xb8;
	[tilespmem:$0x1A900] =	vst v63  }
0x1a: {  	s14 =	sadd.s32 $0x1900, s19  }
0x1b: {  	[hbm4b:s14+s2] =	stream.linear.scatter [tilespmem:s9], [sflag:$0x4], $0xC800, $0x38;
	[tilespmem:$0x1A900] =	vst v63  }
0x1c: {  	_ =	swait.ge [sflag:s8], $0xC800  }
0x1d: {  	[sflag:s8] =	ssyncset.done $0x0  }
0x1e: {  	s15 =	simm.s32 $0x4;
	[sflag:s8] =	ssyncadd.s32 $0xFFFF3800  }
0x1f: {  	_ =	swait.ge [sflag:s15], $0xC800  }
0x20: {  	[sflag:s15] =	ssyncset.done $0x0  }
0x21: {  	s16 =	simm.s32 $0x12C0;
	s20 =	ssub.s32 $0x2, s18;
	[sflag:s15] =	ssyncadd.s32 $0xFFFF3800  }
0x22: {  	[tilespmem:s9], [sflag:$0x2] =	stream.indirect.gather [hbm4b:s5+s6], $0x20, s16, s6, $0xb8;
	[tilespmem:$0x1A900] =	vst v63  }
0x23: {  	s31 =	sshrl.u32 s20, $0x1;
	s17 =	sadd.s32 $0x3200, s19  }
0x24: {  	[hbm4b:s17+s2] =	stream.linear.scatter [tilespmem:s7], [sflag:$0x3], $0xC800, $0x38;
	[tilespmem:$0x1A900] =	vst v63  }
0x25: {  	s18 =	sadd.s32 $0x4B00, s19;
	s19 =	ssub.s32 s20, s31;
	_ =	swait.ge [sflag:s11], $0xC800  }
0x26: {  	s19 =	smax.u32 s19, $0x1;
	[sflag:s11] =	ssyncset.done $0x0  }
0x27: {  	p0 =	sne.s32 s19, $0x1;
	[sflag:s11] =	ssyncadd.s32 $0xFFFF3800  }
0x28: {  	[hbm4b:s18+s2] =	stream.linear.scatter [tilespmem:s9], [sflag:$0x4], $0xC800, $0x38;
	[tilespmem:$0x1A900] =	vst v63  }
.Ltmp0:
0x29: {  	_ =	swait.ge [sflag:s15], $0xC800;
	(pc) =	sbr.rel @!p0 .LBB2_2-.Ltmp0, $4  }
0x2a: {  	[sflag:s15] =	ssyncset.done $0x0  }
0x2b: {  	[sflag:s15] =	ssyncadd.s32 $0xFFFF3800  }
0x2c: {  	_ =	swait.ge [sflag:s12], $0xC800  }
0x2d: {  	s19 =	sadd.s32 $0xFFFFFFFF, s19;
	[sflag:s12] =	ssyncset.done $0x0  }
.LBB2_1:
0x2e: {  	p0 =	sne.s32 s19, $0x1;
	s19 =	sadd.s32 $0xFFFFFFFF, s19;
	[sflag:s12] =	ssyncadd.s32 $0xFFFF3800  }
0x2f: {  	[tilespmem:s2], [sflag:$0x5] =	stream.linear.gather [hbm4b:s3+s2], $0x1900, $0x38;
	[tilespmem:$0x1A900] =	vst v63  }
0x30: {  	_ =	swait.ge [sflag:s4], $0x1900  }
0x31: {  	[sflag:s4] =	ssyncset.done $0x0  }
0x32: {  	[sflag:s4] =	ssyncadd.s32 $0xFFFFE700  }
0x33: {  	[tilespmem:s7], [sflag:$0x1] =	stream.indirect.gather [hbm4b:s5+s6], $0x20, s2, s6, $0xb8;
	[tilespmem:$0x1A900] =	vst v63  }
0x34: {  	_ =	swait.ge [sflag:s8], $0xC800  }
0x35: {  	[sflag:s8] =	ssyncset.done $0x0  }
0x36: {  	[sflag:s8] =	ssyncadd.s32 $0xFFFF3800  }
0x37: {  	[tilespmem:s9], [sflag:$0x2] =	stream.indirect.gather [hbm4b:s5+s6], $0x20, s6, s6, $0xb8;
	[tilespmem:$0x1A900] =	vst v63  }
0x38: {  	_ = 	snop  }
0x39: {  	[hbm4b:s10+s2] =	stream.linear.scatter [tilespmem:s7], [sflag:$0x3], $0xC800, $0x38;
	[tilespmem:$0x1A900] =	vst v63  }
0x3a: {  	_ =	swait.ge [sflag:s11], $0xC800  }
0x3b: {  	[sflag:s11] =	ssyncset.done $0x0  }
0x3c: {  	[sflag:s11] =	ssyncadd.s32 $0xFFFF3800  }
0x3d: {  	_ =	swait.ge [sflag:s12], $0xC800  }
0x3e: {  	[sflag:s12] =	ssyncset.done $0x0  }
0x3f: {  	[sflag:s12] =	ssyncadd.s32 $0xFFFF3800  }
0x40: {  	[tilespmem:s7], [sflag:$0x1] =	stream.indirect.gather [hbm4b:s5+s6], $0x20, s13, s6, $0xb8;
	[tilespmem:$0x1A900] =	vst v63  }
0x41: {  	_ = 	snop  }
0x42: {  	[hbm4b:s14+s2] =	stream.linear.scatter [tilespmem:s9], [sflag:$0x4], $0xC800, $0x38;
	[tilespmem:$0x1A900] =	vst v63  }
0x43: {  	_ =	swait.ge [sflag:s8], $0xC800  }
0x44: {  	[sflag:s8] =	ssyncset.done $0x0  }
0x45: {  	[sflag:s8] =	ssyncadd.s32 $0xFFFF3800  }
0x46: {  	_ =	swait.ge [sflag:s15], $0xC800  }
0x47: {  	[sflag:s15] =	ssyncset.done $0x0  }
0x48: {  	[sflag:s15] =	ssyncadd.s32 $0xFFFF3800  }
0x49: {  	[tilespmem:s9], [sflag:$0x2] =	stream.indirect.gather [hbm4b:s5+s6], $0x20, s16, s6, $0xb8;
	[tilespmem:$0x1A900] =	vst v63  }
0x4a: {  	_ = 	snop  }
0x4b: {  	[hbm4b:s17+s2] =	stream.linear.scatter [tilespmem:s7], [sflag:$0x3], $0xC800, $0x38;
	[tilespmem:$0x1A900] =	vst v63  }
0x4c: {  	_ =	swait.ge [sflag:s11], $0xC800  }
0x4d: {  	[sflag:s11] =	ssyncset.done $0x0  }
0x4e: {  	[sflag:s11] =	ssyncadd.s32 $0xFFFF3800  }
0x4f: {  	[hbm4b:s18+s2] =	stream.linear.scatter [tilespmem:s9], [sflag:$0x4], $0xC800, $0x38;
	[tilespmem:$0x1A900] =	vst v63  }
.Ltmp1:
0x50: {  	_ =	swait.ge [sflag:s15], $0xC800;
	(pc) =	sbr.rel @p0 .LBB2_1-.Ltmp1, $4  }
0x51: {  	[sflag:s15] =	ssyncset.done $0x0  }
0x52: {  	[sflag:s15] =	ssyncadd.s32 $0xFFFF3800  }
0x53: {  	_ =	swait.ge [sflag:s12], $0xC800  }
0x54: {  	[sflag:s12] =	ssyncset.done $0x0  }
.LBB2_2:
0x55: {  	[sflag:s12] =	ssyncadd.s32 $0xFFFF3800  }
0x56: {  	_ =	sfence.sel $0x180000  }
0x57: {  	[bflag:$0x0] =	sbarrier.arrive $0xFFFF  }
0x58: {  	p0 =	sne.s32 s0, $0x0;
	_ =	strace $0x90000047  }
0x59: {  	s0 =	sadd.s32 @!p0 $0x100000, s1;
	[bflag:$0x2] =	sbarrier.arrive $0xFFFF  }
0x5a: {  	[sflag:s0] =	ssyncadd.tile.s32 @!p0 $0x1;
	_ =	shalt  }
.Lfunc_end2:
_tile_overlayer_lowered:
.L_overlay_start_2:
0x5b: {  	(tag) =	ssettag $0x2  }
0x5c: {  	s0 =	rddreg [dreg:$0x0];
	s2 =	stileid.u32  }
0x5d: {  	s1 =	rddreg [dreg:$0x1];
	p0 =	sne.s32 s2, $0x0  }
0x5e: {  	s3 =	rddreg [dreg:$0x2];
	[bflag:$0x3] =	sbarrier.arrive $0xFFFF;
	s2 =	simm.s32 @!p0 $0x1C05  }
0x5f: {  	[timem:s3], [sflag:s2] =	dma.local @!p0 [hbm:s0], s1  }
0x60: {  	s0 =	simm.s32 @!p0 $0x5  }
0x61: {  	_ =	swait.ge @!p0 [sflag:s0], s1  }
0x62: {  	s1 =	ssub.s32 @!p0 $0x0, s1;
	[sflag:s0] =	ssyncset.done @!p0 $0x0  }
0x63: {  	[sflag:s0] =	ssyncadd.s32 @!p0 s1  }
0x64: {  	[bflag:$0x3] =	sbarrier.arrive $0xFFFF  }
0x65: {  	_ =	shalt  }

</sc_bundles>
